<compile_context>
chip_gen: v7x
topology: tpu7x:2x2x1
jax: 0.10.2.dev20260603
libtpu: 0.0.44.dev20260713+nightly
codegen_flags: <defaults>
</compile_context>

<pallas_src>
import functools

import jax
import jax.numpy as jnp
from jax import lax
from jax.experimental import pallas as pl
from jax.experimental.pallas import tpu as pltpu
from jax.experimental.pallas import tpu_sc as plsc

_NUM_LAYERS = 24
_STM = 2048
_D = 1024
_NC = 2
_RPS = _STM // _NC
_NCH = 32
_CR = _RPS // _NCH
_L = 16

_mesh = plsc.ScalarSubcoreMesh(axis_name="c")


@functools.partial(
    pl.kernel,
    mesh=_mesh,
    out_type=jax.ShapeDtypeStruct((1, _STM, _D), jnp.float32),
    scratch_types=[
        pltpu.SMEM((1,), jnp.int32),
        pltpu.VMEM_SHARED((_RPS, _D), jnp.float32),
        [pltpu.SemaphoreType.DMA] * _NCH,
        pltpu.SemaphoreType.DMA,
    ],
)
def _stm_lookup(mem_hbm, layer_hbm, out_hbm, lsm, rows_sp, gsems, ssem):
    cid = lax.axis_index("c")
    base = cid * _RPS
    pltpu.sync_copy(layer_hbm, lsm)
    lay = lsm[0]
    gets = []
    for j in range(_NCH):
        c = pltpu.async_copy(
            mem_hbm.at[lay, pl.ds(base + j * _CR, _CR)],
            rows_sp.at[pl.ds(j * _CR, _CR)],
            gsems[j],
        )
        gets.append(c)
    puts = []
    for j in range(_NCH):
        gets[j].wait()
        c = pltpu.async_copy(
            rows_sp.at[pl.ds(j * _CR, _CR)],
            out_hbm.at[0, pl.ds(base + j * _CR, _CR)],
            ssem,
        )
        puts.append(c)
    for c in puts:
        c.wait()


def kernel(memory, layer):
    layer_arr = jnp.asarray(layer, dtype=jnp.int32).reshape(1)
    return _stm_lookup(memory, layer_arr)

# --- scband reference (transcript-rebuilt; emitter-appended) ---
"""Pipeline reference for scband-short-term-memory-3719441679239 (READ-ONLY COPY).

The authoritative reference and input builder live on the scoring server;
editing this copy changes nothing except your own understanding.
"""

import jax, jax.numpy as jnp
import numpy as np

NUM_LAYERS = 24
STM_SIZE = 2048
EMBED_DIM = 1024

def setup_inputs(seed: int = 0) -> dict:
    key = jax.random.key(seed)
    # init_type='normal' -> N(0, 0.02)
    memory = 0.02 * jax.random.normal(key, (NUM_LAYERS, STM_SIZE, EMBED_DIM), dtype=jnp.float32)
    layer = 12
    return {"memory": memory, "layer": layer}

def reference(memory, layer):
    # forward: self.memory[layer].unsqueeze(0)
    return jnp.take(memory, layer, axis=0)[None, :, :]

if __name__ == "__main__":
    import jax
    _d = setup_inputs()
    print(jax.jit(kernel)(*tuple(_d.values())))

</pallas_src>

<mosaic_0001>
#map = affine_map<(d0) -> (0, 0, 0)>
#map1 = affine_map<(d0) -> (0)>
module attributes {stable_mosaic.version = 14 : i64} {
  func.func @_stm_lookup(%arg0: i32, %arg1: memref<24x2048x1024xf32, #tpu.memory_space<hbm>>, %arg2: memref<1xi32, #tpu.memory_space<hbm>>, %arg3: memref<1x2048x1024xf32, #tpu.memory_space<hbm>>, %arg4: memref<1xi32, #tpu.memory_space<smem>>, %arg5: memref<1024x1024xf32, #tpu.memory_space<vmem_shared>>, %arg6: memref<!tpu.dma_semaphore, #tpu.memory_space<semaphore_mem>>, %arg7: memref<!tpu.dma_semaphore, #tpu.memory_space<semaphore_mem>>, %arg8: memref<!tpu.dma_semaphore, #tpu.memory_space<semaphore_mem>>, %arg9: memref<!tpu.dma_semaphore, #tpu.memory_space<semaphore_mem>>, %arg10: memref<!tpu.dma_semaphore, #tpu.memory_space<semaphore_mem>>, %arg11: memref<!tpu.dma_semaphore, #tpu.memory_space<semaphore_mem>>, %arg12: memref<!tpu.dma_semaphore, #tpu.memory_space<semaphore_mem>>, %arg13: memref<!tpu.dma_semaphore, #tpu.memory_space<semaphore_mem>>, %arg14: memref<!tpu.dma_semaphore, #tpu.memory_space<semaphore_mem>>, %arg15: memref<!tpu.dma_semaphore, #tpu.memory_space<semaphore_mem>>, %arg16: memref<!tpu.dma_semaphore, #tpu.memory_space<semaphore_mem>>, %arg17: memref<!tpu.dma_semaphore, #tpu.memory_space<semaphore_mem>>, %arg18: memref<!tpu.dma_semaphore, #tpu.memory_space<semaphore_mem>>, %arg19: memref<!tpu.dma_semaphore, #tpu.memory_space<semaphore_mem>>, %arg20: memref<!tpu.dma_semaphore, #tpu.memory_space<semaphore_mem>>, %arg21: memref<!tpu.dma_semaphore, #tpu.memory_space<semaphore_mem>>, %arg22: memref<!tpu.dma_semaphore, #tpu.memory_space<semaphore_mem>>, %arg23: memref<!tpu.dma_semaphore, #tpu.memory_space<semaphore_mem>>, %arg24: memref<!tpu.dma_semaphore, #tpu.memory_space<semaphore_mem>>, %arg25: memref<!tpu.dma_semaphore, #tpu.memory_space<semaphore_mem>>, %arg26: memref<!tpu.dma_semaphore, #tpu.memory_space<semaphore_mem>>, %arg27: memref<!tpu.dma_semaphore, #tpu.memory_space<semaphore_mem>>, %arg28: memref<!tpu.dma_semaphore, #tpu.memory_space<semaphore_mem>>, %arg29: memref<!tpu.dma_semaphore, #tpu.memory_space<semaphore_mem>>, %arg30: memref<!tpu.dma_semaphore, #tpu.memory_space<semaphore_mem>>, %arg31: memref<!tpu.dma_semaphore, #tpu.memory_space<semaphore_mem>>, %arg32: memref<!tpu.dma_semaphore, #tpu.memory_space<semaphore_mem>>, %arg33: memref<!tpu.dma_semaphore, #tpu.memory_space<semaphore_mem>>, %arg34: memref<!tpu.dma_semaphore, #tpu.memory_space<semaphore_mem>>, %arg35: memref<!tpu.dma_semaphore, #tpu.memory_space<semaphore_mem>>, %arg36: memref<!tpu.dma_semaphore, #tpu.memory_space<semaphore_mem>>, %arg37: memref<!tpu.dma_semaphore, #tpu.memory_space<semaphore_mem>>, %arg38: memref<!tpu.dma_semaphore, #tpu.memory_space<semaphore_mem>>) attributes {dimension_semantics = [#tpu.dimension_semantics<core_parallel>], iteration_bounds = array<i64: 2>, scalar_prefetch = 0 : i64, scratch_operands = 35 : i64, tpu.core_type = #tpu.core_type<sc_scalar_subcore>, window_params = [{transform_indices = #map}, {transform_indices = #map1}, {transform_indices = #map}]} {
    %mul3A = arith.constant 1024 : i32
    %mul3A_0 = arith.muli %arg0, %mul3A : i32
    "tpu.region"() ({
      %run_scoped3A = tpu.sem_alloc : memref<!tpu.dma_semaphore, #tpu.memory_space<semaphore_mem>>
      tpu.enqueue_dma source(%arg2 : memref<1xi32, #tpu.memory_space<hbm>>) target(%arg4 : memref<1xi32, #tpu.memory_space<smem>>) target_semaphore(%run_scoped3A : memref<!tpu.dma_semaphore, #tpu.memory_space<semaphore_mem>>)
      tpu.wait_dma2 semaphore(%run_scoped3A : memref<!tpu.dma_semaphore, #tpu.memory_space<semaphore_mem>>) src(%arg2 : memref<1xi32, #tpu.memory_space<hbm>>) dst(%arg4 : memref<1xi32, #tpu.memory_space<smem>>)
      tpu.yield
    }) : () -> ()
    %get3A = arith.constant 0 : i32
    %get3A_1 = arith.index_cast %get3A : i32 to index
    %get3A_2 = memref.load %arg4[%get3A_1] : memref<1xi32, #tpu.memory_space<smem>>
    %add3A = arith.constant 0 : i32
    %add3A_3 = arith.addi %mul3A_0, %add3A : i32
    %dma_start3A = arith.constant 0 : i32
    %dma_start3A_4 = arith.constant 0 : i32
    %dma_start3A_5 = tpu.memref_slice %arg5[%dma_start3A, %dma_start3A_4] : memref<1024x1024xf32, #tpu.memory_space<vmem_shared>> -> memref<32x1024xf32, #tpu.memory_space<vmem_shared>>
    %dma_start3A_6 = arith.constant 0 : i32
    %dma_start3A_7 = tpu.memref_slice %arg1[%get3A_2, %add3A_3, %dma_start3A_6] : memref<24x2048x1024xf32, #tpu.memory_space<hbm>> -> memref<1x32x1024xf32, #tpu.memory_space<hbm>>
    %dma_start3A_8 = tpu.memref_squeeze %dma_start3A_7 : memref<1x32x1024xf32, #tpu.memory_space<hbm>> -> memref<32x1024xf32, #tpu.memory_space<hbm>>
    tpu.enqueue_dma source(%dma_start3A_8 : memref<32x1024xf32, #tpu.memory_space<hbm>>) target(%dma_start3A_5 : memref<32x1024xf32, #tpu.memory_space<vmem_shared>>) target_semaphore(%arg6 : memref<!tpu.dma_semaphore, #tpu.memory_space<semaphore_mem>>)
    %add3A_9 = arith.constant 32 : i32
    %add3A_10 = arith.addi %mul3A_0, %add3A_9 : i32
    %dma_start3A_11 = arith.constant 32 : i32
    %dma_start3A_12 = arith.constant 0 : i32
    %dma_start3A_13 = tpu.memref_slice %arg5[%dma_start3A_11, %dma_start3A_12] : memref<1024x1024xf32, #tpu.memory_space<vmem_shared>> -> memref<32x1024xf32, #tpu.memory_space<vmem_shared>>
    %dma_start3A_14 = arith.constant 0 : i32
    %dma_start3A_15 = tpu.memref_slice %arg1[%get3A_2, %add3A_10, %dma_start3A_14] : memref<24x2048x1024xf32, #tpu.memory_space<hbm>> -> memref<1x32x1024xf32, #tpu.memory_space<hbm>>
    %dma_start3A_16 = tpu.memref_squeeze %dma_start3A_15 : memref<1x32x1024xf32, #tpu.memory_space<hbm>> -> memref<32x1024xf32, #tpu.memory_space<hbm>>
    tpu.enqueue_dma source(%dma_start3A_16 : memref<32x1024xf32, #tpu.memory_space<hbm>>) target(%dma_start3A_13 : memref<32x1024xf32, #tpu.memory_space<vmem_shared>>) target_semaphore(%arg7 : memref<!tpu.dma_semaphore, #tpu.memory_space<semaphore_mem>>)
    %add3A_17 = arith.constant 64 : i32
    %add3A_18 = arith.addi %mul3A_0, %add3A_17 : i32
    %dma_start3A_19 = arith.constant 64 : i32
    %dma_start3A_20 = arith.constant 0 : i32
    %dma_start3A_21 = tpu.memref_slice %arg5[%dma_start3A_19, %dma_start3A_20] : memref<1024x1024xf32, #tpu.memory_space<vmem_shared>> -> memref<32x1024xf32, #tpu.memory_space<vmem_shared>>
    %dma_start3A_22 = arith.constant 0 : i32
    %dma_start3A_23 = tpu.memref_slice %arg1[%get3A_2, %add3A_18, %dma_start3A_22] : memref<24x2048x1024xf32, #tpu.memory_space<hbm>> -> memref<1x32x1024xf32, #tpu.memory_space<hbm>>
    %dma_start3A_24 = tpu.memref_squeeze %dma_start3A_23 : memref<1x32x1024xf32, #tpu.memory_space<hbm>> -> memref<32x1024xf32, #tpu.memory_space<hbm>>
    tpu.enqueue_dma source(%dma_start3A_24 : memref<32x1024xf32, #tpu.memory_space<hbm>>) target(%dma_start3A_21 : memref<32x1024xf32, #tpu.memory_space<vmem_shared>>) target_semaphore(%arg8 : memref<!tpu.dma_semaphore, #tpu.memory_space<semaphore_mem>>)
    %add3A_25 = arith.constant 96 : i32
    %add3A_26 = arith.addi %mul3A_0, %add3A_25 : i32
    %dma_start3A_27 = arith.constant 96 : i32
    %dma_start3A_28 = arith.constant 0 : i32
    %dma_start3A_29 = tpu.memref_slice %arg5[%dma_start3A_27, %dma_start3A_28] : memref<1024x1024xf32, #tpu.memory_space<vmem_shared>> -> memref<32x1024xf32, #tpu.memory_space<vmem_shared>>
    %dma_start3A_30 = arith.constant 0 : i32
    %dma_start3A_31 = tpu.memref_slice %arg1[%get3A_2, %add3A_26, %dma_start3A_30] : memref<24x2048x1024xf32, #tpu.memory_space<hbm>> -> memref<1x32x1024xf32, #tpu.memory_space<hbm>>
    %dma_start3A_32 = tpu.memref_squeeze %dma_start3A_31 : memref<1x32x1024xf32, #tpu.memory_space<hbm>> -> memref<32x1024xf32, #tpu.memory_space<hbm>>
    tpu.enqueue_dma source(%dma_start3A_32 : memref<32x1024xf32, #tpu.memory_space<hbm>>) target(%dma_start3A_29 : memref<32x1024xf32, #tpu.memory_space<vmem_shared>>) target_semaphore(%arg9 : memref<!tpu.dma_semaphore, #tpu.memory_space<semaphore_mem>>)
    %add3A_33 = arith.constant 128 : i32
    %add3A_34 = arith.addi %mul3A_0, %add3A_33 : i32
    %dma_start3A_35 = arith.constant 128 : i32
    %dma_start3A_36 = arith.constant 0 : i32
    %dma_start3A_37 = tpu.memref_slice %arg5[%dma_start3A_35, %dma_start3A_36] : memref<1024x1024xf32, #tpu.memory_space<vmem_shared>> -> memref<32x1024xf32, #tpu.memory_space<vmem_shared>>
    %dma_start3A_38 = arith.constant 0 : i32
    %dma_start3A_39 = tpu.memref_slice %arg1[%get3A_2, %add3A_34, %dma_start3A_38] : memref<24x2048x1024xf32, #tpu.memory_space<hbm>> -> memref<1x32x1024xf32, #tpu.memory_space<hbm>>
    %dma_start3A_40 = tpu.memref_squeeze %dma_start3A_39 : memref<1x32x1024xf32, #tpu.memory_space<hbm>> -> memref<32x1024xf32, #tpu.memory_space<hbm>>
    tpu.enqueue_dma source(%dma_start3A_40 : memref<32x1024xf32, #tpu.memory_space<hbm>>) target(%dma_start3A_37 : memref<32x1024xf32, #tpu.memory_space<vmem_shared>>) target_semaphore(%arg10 : memref<!tpu.dma_semaphore, #tpu.memory_space<semaphore_mem>>)
    %add3A_41 = arith.constant 160 : i32
    %add3A_42 = arith.addi %mul3A_0, %add3A_41 : i32
    %dma_start3A_43 = arith.constant 160 : i32
    %dma_start3A_44 = arith.constant 0 : i32
    %dma_start3A_45 = tpu.memref_slice %arg5[%dma_start3A_43, %dma_start3A_44] : memref<1024x1024xf32, #tpu.memory_space<vmem_shared>> -> memref<32x1024xf32, #tpu.memory_space<vmem_shared>>
    %dma_start3A_46 = arith.constant 0 : i32
    %dma_start3A_47 = tpu.memref_slice %arg1[%get3A_2, %add3A_42, %dma_start3A_46] : memref<24x2048x1024xf32, #tpu.memory_space<hbm>> -> memref<1x32x1024xf32, #tpu.memory_space<hbm>>
    %dma_start3A_48 = tpu.memref_squeeze %dma_start3A_47 : memref<1x32x1024xf32, #tpu.memory_space<hbm>> -> memref<32x1024xf32, #tpu.memory_space<hbm>>
    tpu.enqueue_dma source(%dma_start3A_48 : memref<32x1024xf32, #tpu.memory_space<hbm>>) target(%dma_start3A_45 : memref<32x1024xf32, #tpu.memory_space<vmem_shared>>) target_semaphore(%arg11 : memref<!tpu.dma_semaphore, #tpu.memory_space<semaphore_mem>>)
    %add3A_49 = arith.constant 192 : i32
    %add3A_50 = arith.addi %mul3A_0, %add3A_49 : i32
    %dma_start3A_51 = arith.constant 192 : i32
    %dma_start3A_52 = arith.constant 0 : i32
    %dma_start3A_53 = tpu.memref_slice %arg5[%dma_start3A_51, %dma_start3A_52] : memref<1024x1024xf32, #tpu.memory_space<vmem_shared>> -> memref<32x1024xf32, #tpu.memory_space<vmem_shared>>
    %dma_start3A_54 = arith.constant 0 : i32
    %dma_start3A_55 = tpu.memref_slice %arg1[%get3A_2, %add3A_50, %dma_start3A_54] : memref<24x2048x1024xf32, #tpu.memory_space<hbm>> -> memref<1x32x1024xf32, #tpu.memory_space<hbm>>
    %dma_start3A_56 = tpu.memref_squeeze %dma_start3A_55 : memref<1x32x1024xf32, #tpu.memory_space<hbm>> -> memref<32x1024xf32, #tpu.memory_space<hbm>>
    tpu.enqueue_dma source(%dma_start3A_56 : memref<32x1024xf32, #tpu.memory_space<hbm>>) target(%dma_start3A_53 : memref<32x1024xf32, #tpu.memory_space<vmem_shared>>) target_semaphore(%arg12 : memref<!tpu.dma_semaphore, #tpu.memory_space<semaphore_mem>>)
    %add3A_57 = arith.constant 224 : i32
    %add3A_58 = arith.addi %mul3A_0, %add3A_57 : i32
    %dma_start3A_59 = arith.constant 224 : i32
    %dma_start3A_60 = arith.constant 0 : i32
    %dma_start3A_61 = tpu.memref_slice %arg5[%dma_start3A_59, %dma_start3A_60] : memref<1024x1024xf32, #tpu.memory_space<vmem_shared>> -> memref<32x1024xf32, #tpu.memory_space<vmem_shared>>
    %dma_start3A_62 = arith.constant 0 : i32
    %dma_start3A_63 = tpu.memref_slice %arg1[%get3A_2, %add3A_58, %dma_start3A_62] : memref<24x2048x1024xf32, #tpu.memory_space<hbm>> -> memref<1x32x1024xf32, #tpu.memory_space<hbm>>
    %dma_start3A_64 = tpu.memref_squeeze %dma_start3A_63 : memref<1x32x1024xf32, #tpu.memory_space<hbm>> -> memref<32x1024xf32, #tpu.memory_space<hbm>>
    tpu.enqueue_dma source(%dma_start3A_64 : memref<32x1024xf32, #tpu.memory_space<hbm>>) target(%dma_start3A_61 : memref<32x1024xf32, #tpu.memory_space<vmem_shared>>) target_semaphore(%arg13 : memref<!tpu.dma_semaphore, #tpu.memory_space<semaphore_mem>>)
    %add3A_65 = arith.constant 256 : i32
    %add3A_66 = arith.addi %mul3A_0, %add3A_65 : i32
    %dma_start3A_67 = arith.constant 256 : i32
    %dma_start3A_68 = arith.constant 0 : i32
    %dma_start3A_69 = tpu.memref_slice %arg5[%dma_start3A_67, %dma_start3A_68] : memref<1024x1024xf32, #tpu.memory_space<vmem_shared>> -> memref<32x1024xf32, #tpu.memory_space<vmem_shared>>
    %dma_start3A_70 = arith.constant 0 : i32
    %dma_start3A_71 = tpu.memref_slice %arg1[%get3A_2, %add3A_66, %dma_start3A_70] : memref<24x2048x1024xf32, #tpu.memory_space<hbm>> -> memref<1x32x1024xf32, #tpu.memory_space<hbm>>
    %dma_start3A_72 = tpu.memref_squeeze %dma_start3A_71 : memref<1x32x1024xf32, #tpu.memory_space<hbm>> -> memref<32x1024xf32, #tpu.memory_space<hbm>>
    tpu.enqueue_dma source(%dma_start3A_72 : memref<32x1024xf32, #tpu.memory_space<hbm>>) target(%dma_start3A_69 : memref<32x1024xf32, #tpu.memory_space<vmem_shared>>) target_semaphore(%arg14 : memref<!tpu.dma_semaphore, #tpu.memory_space<semaphore_mem>>)
    %add3A_73 = arith.constant 288 : i32
    %add3A_74 = arith.addi %mul3A_0, %add3A_73 : i32
    %dma_start3A_75 = arith.constant 288 : i32
    %dma_start3A_76 = arith.constant 0 : i32
    %dma_start3A_77 = tpu.memref_slice %arg5[%dma_start3A_75, %dma_start3A_76] : memref<1024x1024xf32, #tpu.memory_space<vmem_shared>> -> memref<32x1024xf32, #tpu.memory_space<vmem_shared>>
    %dma_start3A_78 = arith.constant 0 : i32
    %dma_start3A_79 = tpu.memref_slice %arg1[%get3A_2, %add3A_74, %dma_start3A_78] : memref<24x2048x1024xf32, #tpu.memory_space<hbm>> -> memref<1x32x1024xf32, #tpu.memory_space<hbm>>
    %dma_start3A_80 = tpu.memref_squeeze %dma_start3A_79 : memref<1x32x1024xf32, #tpu.memory_space<hbm>> -> memref<32x1024xf32, #tpu.memory_space<hbm>>
    tpu.enqueue_dma source(%dma_start3A_80 : memref<32x1024xf32, #tpu.memory_space<hbm>>) target(%dma_start3A_77 : memref<32x1024xf32, #tpu.memory_space<vmem_shared>>) target_semaphore(%arg15 : memref<!tpu.dma_semaphore, #tpu.memory_space<semaphore_mem>>)
    %add3A_81 = arith.constant 320 : i32
    %add3A_82 = arith.addi %mul3A_0, %add3A_81 : i32
    %dma_start3A_83 = arith.constant 320 : i32
    %dma_start3A_84 = arith.constant 0 : i32
    %dma_start3A_85 = tpu.memref_slice %arg5[%dma_start3A_83, %dma_start3A_84] : memref<1024x1024xf32, #tpu.memory_space<vmem_shared>> -> memref<32x1024xf32, #tpu.memory_space<vmem_shared>>
    %dma_start3A_86 = arith.constant 0 : i32
    %dma_start3A_87 = tpu.memref_slice %arg1[%get3A_2, %add3A_82, %dma_start3A_86] : memref<24x2048x1024xf32, #tpu.memory_space<hbm>> -> memref<1x32x1024xf32, #tpu.memory_space<hbm>>
    %dma_start3A_88 = tpu.memref_squeeze %dma_start3A_87 : memref<1x32x1024xf32, #tpu.memory_space<hbm>> -> memref<32x1024xf32, #tpu.memory_space<hbm>>
    tpu.enqueue_dma source(%dma_start3A_88 : memref<32x1024xf32, #tpu.memory_space<hbm>>) target(%dma_start3A_85 : memref<32x1024xf32, #tpu.memory_space<vmem_shared>>) target_semaphore(%arg16 : memref<!tpu.dma_semaphore, #tpu.memory_space<semaphore_mem>>)
    %add3A_89 = arith.constant 352 : i32
    %add3A_90 = arith.addi %mul3A_0, %add3A_89 : i32
    %dma_start3A_91 = arith.constant 352 : i32
    %dma_start3A_92 = arith.constant 0 : i32
    %dma_start3A_93 = tpu.memref_slice %arg5[%dma_start3A_91, %dma_start3A_92] : memref<1024x1024xf32, #tpu.memory_space<vmem_shared>> -> memref<32x1024xf32, #tpu.memory_space<vmem_shared>>
    %dma_start3A_94 = arith.constant 0 : i32
    %dma_start3A_95 = tpu.memref_slice %arg1[%get3A_2, %add3A_90, %dma_start3A_94] : memref<24x2048x1024xf32, #tpu.memory_space<hbm>> -> memref<1x32x1024xf32, #tpu.memory_space<hbm>>
    %dma_start3A_96 = tpu.memref_squeeze %dma_start3A_95 : memref<1x32x1024xf32, #tpu.memory_space<hbm>> -> memref<32x1024xf32, #tpu.memory_space<hbm>>
    tpu.enqueue_dma source(%dma_start3A_96 : memref<32x1024xf32, #tpu.memory_space<hbm>>) target(%dma_start3A_93 : memref<32x1024xf32, #tpu.memory_space<vmem_shared>>) target_semaphore(%arg17 : memref<!tpu.dma_semaphore, #tpu.memory_space<semaphore_mem>>)
    %add3A_97 = arith.constant 384 : i32
    %add3A_98 = arith.addi %mul3A_0, %add3A_97 : i32
    %dma_start3A_99 = arith.constant 384 : i32
    %dma_start3A_100 = arith.constant 0 : i32
    %dma_start3A_101 = tpu.memref_slice %arg5[%dma_start3A_99, %dma_start3A_100] : memref<1024x1024xf32, #tpu.memory_space<vmem_shared>> -> memref<32x1024xf32, #tpu.memory_space<vmem_shared>>
    %dma_start3A_102 = arith.constant 0 : i32
    %dma_start3A_103 = tpu.memref_slice %arg1[%get3A_2, %add3A_98, %dma_start3A_102] : memref<24x2048x1024xf32, #tpu.memory_space<hbm>> -> memref<1x32x1024xf32, #tpu.memory_space<hbm>>
    %dma_start3A_104 = tpu.memref_squeeze %dma_start3A_103 : memref<1x32x1024xf32, #tpu.memory_space<hbm>> -> memref<32x1024xf32, #tpu.memory_space<hbm>>
    tpu.enqueue_dma source(%dma_start3A_104 : memref<32x1024xf32, #tpu.memory_space<hbm>>) target(%dma_start3A_101 : memref<32x1024xf32, #tpu.memory_space<vmem_shared>>) target_semaphore(%arg18 : memref<!tpu.dma_semaphore, #tpu.memory_space<semaphore_mem>>)
    %add3A_105 = arith.constant 416 : i32
    %add3A_106 = arith.addi %mul3A_0, %add3A_105 : i32
    %dma_start3A_107 = arith.constant 416 : i32
    %dma_start3A_108 = arith.constant 0 : i32
    %dma_start3A_109 = tpu.memref_slice %arg5[%dma_start3A_107, %dma_start3A_108] : memref<1024x1024xf32, #tpu.memory_space<vmem_shared>> -> memref<32x1024xf32, #tpu.memory_space<vmem_shared>>
    %dma_start3A_110 = arith.constant 0 : i32
    %dma_start3A_111 = tpu.memref_slice %arg1[%get3A_2, %add3A_106, %dma_start3A_110] : memref<24x2048x1024xf32, #tpu.memory_space<hbm>> -> memref<1x32x1024xf32, #tpu.memory_space<hbm>>
    %dma_start3A_112 = tpu.memref_squeeze %dma_start3A_111 : memref<1x32x1024xf32, #tpu.memory_space<hbm>> -> memref<32x1024xf32, #tpu.memory_space<hbm>>
    tpu.enqueue_dma source(%dma_start3A_112 : memref<32x1024xf32, #tpu.memory_space<hbm>>) target(%dma_start3A_109 : memref<32x1024xf32, #tpu.memory_space<vmem_shared>>) target_semaphore(%arg19 : memref<!tpu.dma_semaphore, #tpu.memory_space<semaphore_mem>>)
    %add3A_113 = arith.constant 448 : i32
    %add3A_114 = arith.addi %mul3A_0, %add3A_113 : i32
    %dma_start3A_115 = arith.constant 448 : i32
    %dma_start3A_116 = arith.constant 0 : i32
    %dma_start3A_117 = tpu.memref_slice %arg5[%dma_start3A_115, %dma_start3A_116] : memref<1024x1024xf32, #tpu.memory_space<vmem_shared>> -> memref<32x1024xf32, #tpu.memory_space<vmem_shared>>
    %dma_start3A_118 = arith.constant 0 : i32
    %dma_start3A_119 = tpu.memref_slice %arg1[%get3A_2, %add3A_114, %dma_start3A_118] : memref<24x2048x1024xf32, #tpu.memory_space<hbm>> -> memref<1x32x1024xf32, #tpu.memory_space<hbm>>
    %dma_start3A_120 = tpu.memref_squeeze %dma_start3A_119 : memref<1x32x1024xf32, #tpu.memory_space<hbm>> -> memref<32x1024xf32, #tpu.memory_space<hbm>>
    tpu.enqueue_dma source(%dma_start3A_120 : memref<32x1024xf32, #tpu.memory_space<hbm>>) target(%dma_start3A_117 : memref<32x1024xf32, #tpu.memory_space<vmem_shared>>) target_semaphore(%arg20 : memref<!tpu.dma_semaphore, #tpu.memory_space<semaphore_mem>>)
    %add3A_121 = arith.constant 480 : i32
    %add3A_122 = arith.addi %mul3A_0, %add3A_121 : i32
    %dma_start3A_123 = arith.constant 480 : i32
    %dma_start3A_124 = arith.constant 0 : i32
    %dma_start3A_125 = tpu.memref_slice %arg5[%dma_start3A_123, %dma_start3A_124] : memref<1024x1024xf32, #tpu.memory_space<vmem_shared>> -> memref<32x1024xf32, #tpu.memory_space<vmem_shared>>
    %dma_start3A_126 = arith.constant 0 : i32
    %dma_start3A_127 = tpu.memref_slice %arg1[%get3A_2, %add3A_122, %dma_start3A_126] : memref<24x2048x1024xf32, #tpu.memory_space<hbm>> -> memref<1x32x1024xf32, #tpu.memory_space<hbm>>
    %dma_start3A_128 = tpu.memref_squeeze %dma_start3A_127 : memref<1x32x1024xf32, #tpu.memory_space<hbm>> -> memref<32x1024xf32, #tpu.memory_space<hbm>>
    tpu.enqueue_dma source(%dma_start3A_128 : memref<32x1024xf32, #tpu.memory_space<hbm>>) target(%dma_start3A_125 : memref<32x1024xf32, #tpu.memory_space<vmem_shared>>) target_semaphore(%arg21 : memref<!tpu.dma_semaphore, #tpu.memory_space<semaphore_mem>>)
    %add3A_129 = arith.constant 512 : i32
    %add3A_130 = arith.addi %mul3A_0, %add3A_129 : i32
    %dma_start3A_131 = arith.constant 512 : i32
    %dma_start3A_132 = arith.constant 0 : i32
    %dma_start3A_133 = tpu.memref_slice %arg5[%dma_start3A_131, %dma_start3A_132] : memref<1024x1024xf32, #tpu.memory_space<vmem_shared>> -> memref<32x1024xf32, #tpu.memory_space<vmem_shared>>
    %dma_start3A_134 = arith.constant 0 : i32
    %dma_start3A_135 = tpu.memref_slice %arg1[%get3A_2, %add3A_130, %dma_start3A_134] : memref<24x2048x1024xf32, #tpu.memory_space<hbm>> -> memref<1x32x1024xf32, #tpu.memory_space<hbm>>
    %dma_start3A_136 = tpu.memref_squeeze %dma_start3A_135 : memref<1x32x1024xf32, #tpu.memory_space<hbm>> -> memref<32x1024xf32, #tpu.memory_space<hbm>>
    tpu.enqueue_dma source(%dma_start3A_136 : memref<32x1024xf32, #tpu.memory_space<hbm>>) target(%dma_start3A_133 : memref<32x1024xf32, #tpu.memory_space<vmem_shared>>) target_semaphore(%arg22 : memref<!tpu.dma_semaphore, #tpu.memory_space<semaphore_mem>>)
    %add3A_137 = arith.constant 544 : i32
    %add3A_138 = arith.addi %mul3A_0, %add3A_137 : i32
    %dma_start3A_139 = arith.constant 544 : i32
    %dma_start3A_140 = arith.constant 0 : i32
    %dma_start3A_141 = tpu.memref_slice %arg5[%dma_start3A_139, %dma_start3A_140] : memref<1024x1024xf32, #tpu.memory_space<vmem_shared>> -> memref<32x1024xf32, #tpu.memory_space<vmem_shared>>
    %dma_start3A_142 = arith.constant 0 : i32
    %dma_start3A_143 = tpu.memref_slice %arg1[%get3A_2, %add3A_138, %dma_start3A_142] : memref<24x2048x1024xf32, #tpu.memory_space<hbm>> -> memref<1x32x1024xf32, #tpu.memory_space<hbm>>
    %dma_start3A_144 = tpu.memref_squeeze %dma_start3A_143 : memref<1x32x1024xf32, #tpu.memory_space<hbm>> -> memref<32x1024xf32, #tpu.memory_space<hbm>>
    tpu.enqueue_dma source(%dma_start3A_144 : memref<32x1024xf32, #tpu.memory_space<hbm>>) target(%dma_start3A_141 : memref<32x1024xf32, #tpu.memory_space<vmem_shared>>) target_semaphore(%arg23 : memref<!tpu.dma_semaphore, #tpu.memory_space<semaphore_mem>>)
    %add3A_145 = arith.constant 576 : i32
    %add3A_146 = arith.addi %mul3A_0, %add3A_145 : i32
    %dma_start3A_147 = arith.constant 576 : i32
    %dma_start3A_148 = arith.constant 0 : i32
    %dma_start3A_149 = tpu.memref_slice %arg5[%dma_start3A_147, %dma_start3A_148] : memref<1024x1024xf32, #tpu.memory_space<vmem_shared>> -> memref<32x1024xf32, #tpu.memory_space<vmem_shared>>
    %dma_start3A_150 = arith.constant 0 : i32
    %dma_start3A_151 = tpu.memref_slice %arg1[%get3A_2, %add3A_146, %dma_start3A_150] : memref<24x2048x1024xf32, #tpu.memory_space<hbm>> -> memref<1x32x1024xf32, #tpu.memory_space<hbm>>
    %dma_start3A_152 = tpu.memref_squeeze %dma_start3A_151 : memref<1x32x1024xf32, #tpu.memory_space<hbm>> -> memref<32x1024xf32, #tpu.memory_space<hbm>>
    tpu.enqueue_dma source(%dma_start3A_152 : memref<32x1024xf32, #tpu.memory_space<hbm>>) target(%dma_start3A_149 : memref<32x1024xf32, #tpu.memory_space<vmem_shared>>) target_semaphore(%arg24 : memref<!tpu.dma_semaphore, #tpu.memory_space<semaphore_mem>>)
    %add3A_153 = arith.constant 608 : i32
    %add3A_154 = arith.addi %mul3A_0, %add3A_153 : i32
    %dma_start3A_155 = arith.constant 608 : i32
    %dma_start3A_156 = arith.constant 0 : i32
    %dma_start3A_157 = tpu.memref_slice %arg5[%dma_start3A_155, %dma_start3A_156] : memref<1024x1024xf32, #tpu.memory_space<vmem_shared>> -> memref<32x1024xf32, #tpu.memory_space<vmem_shared>>
    %dma_start3A_158 = arith.constant 0 : i32
    %dma_start3A_159 = tpu.memref_slice %arg1[%get3A_2, %add3A_154, %dma_start3A_158] : memref<24x2048x1024xf32, #tpu.memory_space<hbm>> -> memref<1x32x1024xf32, #tpu.memory_space<hbm>>
    %dma_start3A_160 = tpu.memref_squeeze %dma_start3A_159 : memref<1x32x1024xf32, #tpu.memory_space<hbm>> -> memref<32x1024xf32, #tpu.memory_space<hbm>>
    tpu.enqueue_dma source(%dma_start3A_160 : memref<32x1024xf32, #tpu.memory_space<hbm>>) target(%dma_start3A_157 : memref<32x1024xf32, #tpu.memory_space<vmem_shared>>) target_semaphore(%arg25 : memref<!tpu.dma_semaphore, #tpu.memory_space<semaphore_mem>>)
    %add3A_161 = arith.constant 640 : i32
    %add3A_162 = arith.addi %mul3A_0, %add3A_161 : i32
    %dma_start3A_163 = arith.constant 640 : i32
    %dma_start3A_164 = arith.constant 0 : i32
    %dma_start3A_165 = tpu.memref_slice %arg5[%dma_start3A_163, %dma_start3A_164] : memref<1024x1024xf32, #tpu.memory_space<vmem_shared>> -> memref<32x1024xf32, #tpu.memory_space<vmem_shared>>
    %dma_start3A_166 = arith.constant 0 : i32
    %dma_start3A_167 = tpu.memref_slice %arg1[%get3A_2, %add3A_162, %dma_start3A_166] : memref<24x2048x1024xf32, #tpu.memory_space<hbm>> -> memref<1x32x1024xf32, #tpu.memory_space<hbm>>
    %dma_start3A_168 = tpu.memref_squeeze %dma_start3A_167 : memref<1x32x1024xf32, #tpu.memory_space<hbm>> -> memref<32x1024xf32, #tpu.memory_space<hbm>>
    tpu.enqueue_dma source(%dma_start3A_168 : memref<32x1024xf32, #tpu.memory_space<hbm>>) target(%dma_start3A_165 : memref<32x1024xf32, #tpu.memory_space<vmem_shared>>) target_semaphore(%arg26 : memref<!tpu.dma_semaphore, #tpu.memory_space<semaphore_mem>>)
    %add3A_169 = arith.constant 672 : i32
    %add3A_170 = arith.addi %mul3A_0, %add3A_169 : i32
    %dma_start3A_171 = arith.constant 672 : i32
    %dma_start3A_172 = arith.constant 0 : i32
    %dma_start3A_173 = tpu.memref_slice %arg5[%dma_start3A_171, %dma_start3A_172] : memref<1024x1024xf32, #tpu.memory_space<vmem_shared>> -> memref<32x1024xf32, #tpu.memory_space<vmem_shared>>
    %dma_start3A_174 = arith.constant 0 : i32
    %dma_start3A_175 = tpu.memref_slice %arg1[%get3A_2, %add3A_170, %dma_start3A_174] : memref<24x2048x1024xf32, #tpu.memory_space<hbm>> -> memref<1x32x1024xf32, #tpu.memory_space<hbm>>
    %dma_start3A_176 = tpu.memref_squeeze %dma_start3A_175 : memref<1x32x1024xf32, #tpu.memory_space<hbm>> -> memref<32x1024xf32, #tpu.memory_space<hbm>>
    tpu.enqueue_dma source(%dma_start3A_176 : memref<32x1024xf32, #tpu.memory_space<hbm>>) target(%dma_start3A_173 : memref<32x1024xf32, #tpu.memory_space<vmem_shared>>) target_semaphore(%arg27 : memref<!tpu.dma_semaphore, #tpu.memory_space<semaphore_mem>>)
    %add3A_177 = arith.constant 704 : i32
    %add3A_178 = arith.addi %mul3A_0, %add3A_177 : i32
    %dma_start3A_179 = arith.constant 704 : i32
    %dma_start3A_180 = arith.constant 0 : i32
    %dma_start3A_181 = tpu.memref_slice %arg5[%dma_start3A_179, %dma_start3A_180] : memref<1024x1024xf32, #tpu.memory_space<vmem_shared>> -> memref<32x1024xf32, #tpu.memory_space<vmem_shared>>
    %dma_start3A_182 = arith.constant 0 : i32
    %dma_start3A_183 = tpu.memref_slice %arg1[%get3A_2, %add3A_178, %dma_start3A_182] : memref<24x2048x1024xf32, #tpu.memory_space<hbm>> -> memref<1x32x1024xf32, #tpu.memory_space<hbm>>
    %dma_start3A_184 = tpu.memref_squeeze %dma_start3A_183 : memref<1x32x1024xf32, #tpu.memory_space<hbm>> -> memref<32x1024xf32, #tpu.memory_space<hbm>>
    tpu.enqueue_dma source(%dma_start3A_184 : memref<32x1024xf32, #tpu.memory_space<hbm>>) target(%dma_start3A_181 : memref<32x1024xf32, #tpu.memory_space<vmem_shared>>) target_semaphore(%arg28 : memref<!tpu.dma_semaphore, #tpu.memory_space<semaphore_mem>>)
    %add3A_185 = arith.constant 736 : i32
    %add3A_186 = arith.addi %mul3A_0, %add3A_185 : i32
    %dma_start3A_187 = arith.constant 736 : i32
    %dma_start3A_188 = arith.constant 0 : i32
    %dma_start3A_189 = tpu.memref_slice %arg5[%dma_start3A_187, %dma_start3A_188] : memref<1024x1024xf32, #tpu.memory_space<vmem_shared>> -> memref<32x1024xf32, #tpu.memory_space<vmem_shared>>
    %dma_start3A_190 = arith.constant 0 : i32
    %dma_start3A_191 = tpu.memref_slice %arg1[%get3A_2, %add3A_186, %dma_start3A_190] : memref<24x2048x1024xf32, #tpu.memory_space<hbm>> -> memref<1x32x1024xf32, #tpu.memory_space<hbm>>
    %dma_start3A_192 = tpu.memref_squeeze %dma_start3A_191 : memref<1x32x1024xf32, #tpu.memory_space<hbm>> -> memref<32x1024xf32, #tpu.memory_space<hbm>>
    tpu.enqueue_dma source(%dma_start3A_192 : memref<32x1024xf32, #tpu.memory_space<hbm>>) target(%dma_start3A_189 : memref<32x1024xf32, #tpu.memory_space<vmem_shared>>) target_semaphore(%arg29 : memref<!tpu.dma_semaphore, #tpu.memory_space<semaphore_mem>>)
    %add3A_193 = arith.constant 768 : i32
    %add3A_194 = arith.addi %mul3A_0, %add3A_193 : i32
    %dma_start3A_195 = arith.constant 768 : i32
    %dma_start3A_196 = arith.constant 0 : i32
    %dma_start3A_197 = tpu.memref_slice %arg5[%dma_start3A_195, %dma_start3A_196] : memref<1024x1024xf32, #tpu.memory_space<vmem_shared>> -> memref<32x1024xf32, #tpu.memory_space<vmem_shared>>
    %dma_start3A_198 = arith.constant 0 : i32
    %dma_start3A_199 = tpu.memref_slice %arg1[%get3A_2, %add3A_194, %dma_start3A_198] : memref<24x2048x1024xf32, #tpu.memory_space<hbm>> -> memref<1x32x1024xf32, #tpu.memory_space<hbm>>
    %dma_start3A_200 = tpu.memref_squeeze %dma_start3A_199 : memref<1x32x1024xf32, #tpu.memory_space<hbm>> -> memref<32x1024xf32, #tpu.memory_space<hbm>>
    tpu.enqueue_dma source(%dma_start3A_200 : memref<32x1024xf32, #tpu.memory_space<hbm>>) target(%dma_start3A_197 : memref<32x1024xf32, #tpu.memory_space<vmem_shared>>) target_semaphore(%arg30 : memref<!tpu.dma_semaphore, #tpu.memory_space<semaphore_mem>>)
    %add3A_201 = arith.constant 800 : i32
    %add3A_202 = arith.addi %mul3A_0, %add3A_201 : i32
    %dma_start3A_203 = arith.constant 800 : i32
    %dma_start3A_204 = arith.constant 0 : i32
    %dma_start3A_205 = tpu.memref_slice %arg5[%dma_start3A_203, %dma_start3A_204] : memref<1024x1024xf32, #tpu.memory_space<vmem_shared>> -> memref<32x1024xf32, #tpu.memory_space<vmem_shared>>
    %dma_start3A_206 = arith.constant 0 : i32
    %dma_start3A_207 = tpu.memref_slice %arg1[%get3A_2, %add3A_202, %dma_start3A_206] : memref<24x2048x1024xf32, #tpu.memory_space<hbm>> -> memref<1x32x1024xf32, #tpu.memory_space<hbm>>
    %dma_start3A_208 = tpu.memref_squeeze %dma_start3A_207 : memref<1x32x1024xf32, #tpu.memory_space<hbm>> -> memref<32x1024xf32, #tpu.memory_space<hbm>>
    tpu.enqueue_dma source(%dma_start3A_208 : memref<32x1024xf32, #tpu.memory_space<hbm>>) target(%dma_start3A_205 : memref<32x1024xf32, #tpu.memory_space<vmem_shared>>) target_semaphore(%arg31 : memref<!tpu.dma_semaphore, #tpu.memory_space<semaphore_mem>>)
    %add3A_209 = arith.constant 832 : i32
    %add3A_210 = arith.addi %mul3A_0, %add3A_209 : i32
    %dma_start3A_211 = arith.constant 832 : i32
    %dma_start3A_212 = arith.constant 0 : i32
    %dma_start3A_213 = tpu.memref_slice %arg5[%dma_start3A_211, %dma_start3A_212] : memref<1024x1024xf32, #tpu.memory_space<vmem_shared>> -> memref<32x1024xf32, #tpu.memory_space<vmem_shared>>
    %dma_start3A_214 = arith.constant 0 : i32
    %dma_start3A_215 = tpu.memref_slice %arg1[%get3A_2, %add3A_210, %dma_start3A_214] : memref<24x2048x1024xf32, #tpu.memory_space<hbm>> -> memref<1x32x1024xf32, #tpu.memory_space<hbm>>
    %dma_start3A_216 = tpu.memref_squeeze %dma_start3A_215 : memref<1x32x1024xf32, #tpu.memory_space<hbm>> -> memref<32x1024xf32, #tpu.memory_space<hbm>>
    tpu.enqueue_dma source(%dma_start3A_216 : memref<32x1024xf32, #tpu.memory_space<hbm>>) target(%dma_start3A_213 : memref<32x1024xf32, #tpu.memory_space<vmem_shared>>) target_semaphore(%arg32 : memref<!tpu.dma_semaphore, #tpu.memory_space<semaphore_mem>>)
    %add3A_217 = arith.constant 864 : i32
    %add3A_218 = arith.addi %mul3A_0, %add3A_217 : i32
    %dma_start3A_219 = arith.constant 864 : i32
    %dma_start3A_220 = arith.constant 0 : i32
    %dma_start3A_221 = tpu.memref_slice %arg5[%dma_start3A_219, %dma_start3A_220] : memref<1024x1024xf32, #tpu.memory_space<vmem_shared>> -> memref<32x1024xf32, #tpu.memory_space<vmem_shared>>
    %dma_start3A_222 = arith.constant 0 : i32
    %dma_start3A_223 = tpu.memref_slice %arg1[%get3A_2, %add3A_218, %dma_start3A_222] : memref<24x2048x1024xf32, #tpu.memory_space<hbm>> -> memref<1x32x1024xf32, #tpu.memory_space<hbm>>
    %dma_start3A_224 = tpu.memref_squeeze %dma_start3A_223 : memref<1x32x1024xf32, #tpu.memory_space<hbm>> -> memref<32x1024xf32, #tpu.memory_space<hbm>>
    tpu.enqueue_dma source(%dma_start3A_224 : memref<32x1024xf32, #tpu.memory_space<hbm>>) target(%dma_start3A_221 : memref<32x1024xf32, #tpu.memory_space<vmem_shared>>) target_semaphore(%arg33 : memref<!tpu.dma_semaphore, #tpu.memory_space<semaphore_mem>>)
    %add3A_225 = arith.constant 896 : i32
    %add3A_226 = arith.addi %mul3A_0, %add3A_225 : i32
    %dma_start3A_227 = arith.constant 896 : i32
    %dma_start3A_228 = arith.constant 0 : i32
    %dma_start3A_229 = tpu.memref_slice %arg5[%dma_start3A_227, %dma_start3A_228] : memref<1024x1024xf32, #tpu.memory_space<vmem_shared>> -> memref<32x1024xf32, #tpu.memory_space<vmem_shared>>
    %dma_start3A_230 = arith.constant 0 : i32
    %dma_start3A_231 = tpu.memref_slice %arg1[%get3A_2, %add3A_226, %dma_start3A_230] : memref<24x2048x1024xf32, #tpu.memory_space<hbm>> -> memref<1x32x1024xf32, #tpu.memory_space<hbm>>
    %dma_start3A_232 = tpu.memref_squeeze %dma_start3A_231 : memref<1x32x1024xf32, #tpu.memory_space<hbm>> -> memref<32x1024xf32, #tpu.memory_space<hbm>>
    tpu.enqueue_dma source(%dma_start3A_232 : memref<32x1024xf32, #tpu.memory_space<hbm>>) target(%dma_start3A_229 : memref<32x1024xf32, #tpu.memory_space<vmem_shared>>) target_semaphore(%arg34 : memref<!tpu.dma_semaphore, #tpu.memory_space<semaphore_mem>>)
    %add3A_233 = arith.constant 928 : i32
    %add3A_234 = arith.addi %mul3A_0, %add3A_233 : i32
    %dma_start3A_235 = arith.constant 928 : i32
    %dma_start3A_236 = arith.constant 0 : i32
    %dma_start3A_237 = tpu.memref_slice %arg5[%dma_start3A_235, %dma_start3A_236] : memref<1024x1024xf32, #tpu.memory_space<vmem_shared>> -> memref<32x1024xf32, #tpu.memory_space<vmem_shared>>
    %dma_start3A_238 = arith.constant 0 : i32
    %dma_start3A_239 = tpu.memref_slice %arg1[%get3A_2, %add3A_234, %dma_start3A_238] : memref<24x2048x1024xf32, #tpu.memory_space<hbm>> -> memref<1x32x1024xf32, #tpu.memory_space<hbm>>
    %dma_start3A_240 = tpu.memref_squeeze %dma_start3A_239 : memref<1x32x1024xf32, #tpu.memory_space<hbm>> -> memref<32x1024xf32, #tpu.memory_space<hbm>>
    tpu.enqueue_dma source(%dma_start3A_240 : memref<32x1024xf32, #tpu.memory_space<hbm>>) target(%dma_start3A_237 : memref<32x1024xf32, #tpu.memory_space<vmem_shared>>) target_semaphore(%arg35 : memref<!tpu.dma_semaphore, #tpu.memory_space<semaphore_mem>>)
    %add3A_241 = arith.constant 960 : i32
    %add3A_242 = arith.addi %mul3A_0, %add3A_241 : i32
    %dma_start3A_243 = arith.constant 960 : i32
    %dma_start3A_244 = arith.constant 0 : i32
    %dma_start3A_245 = tpu.memref_slice %arg5[%dma_start3A_243, %dma_start3A_244] : memref<1024x1024xf32, #tpu.memory_space<vmem_shared>> -> memref<32x1024xf32, #tpu.memory_space<vmem_shared>>
    %dma_start3A_246 = arith.constant 0 : i32
    %dma_start3A_247 = tpu.memref_slice %arg1[%get3A_2, %add3A_242, %dma_start3A_246] : memref<24x2048x1024xf32, #tpu.memory_space<hbm>> -> memref<1x32x1024xf32, #tpu.memory_space<hbm>>
    %dma_start3A_248 = tpu.memref_squeeze %dma_start3A_247 : memref<1x32x1024xf32, #tpu.memory_space<hbm>> -> memref<32x1024xf32, #tpu.memory_space<hbm>>
    tpu.enqueue_dma source(%dma_start3A_248 : memref<32x1024xf32, #tpu.memory_space<hbm>>) target(%dma_start3A_245 : memref<32x1024xf32, #tpu.memory_space<vmem_shared>>) target_semaphore(%arg36 : memref<!tpu.dma_semaphore, #tpu.memory_space<semaphore_mem>>)
    %add3A_249 = arith.constant 992 : i32
    %add3A_250 = arith.addi %mul3A_0, %add3A_249 : i32
    %dma_start3A_251 = arith.constant 992 : i32
    %dma_start3A_252 = arith.constant 0 : i32
    %dma_start3A_253 = tpu.memref_slice %arg5[%dma_start3A_251, %dma_start3A_252] : memref<1024x1024xf32, #tpu.memory_space<vmem_shared>> -> memref<32x1024xf32, #tpu.memory_space<vmem_shared>>
    %dma_start3A_254 = arith.constant 0 : i32
    %dma_start3A_255 = tpu.memref_slice %arg1[%get3A_2, %add3A_250, %dma_start3A_254] : memref<24x2048x1024xf32, #tpu.memory_space<hbm>> -> memref<1x32x1024xf32, #tpu.memory_space<hbm>>
    %dma_start3A_256 = tpu.memref_squeeze %dma_start3A_255 : memref<1x32x1024xf32, #tpu.memory_space<hbm>> -> memref<32x1024xf32, #tpu.memory_space<hbm>>
    tpu.enqueue_dma source(%dma_start3A_256 : memref<32x1024xf32, #tpu.memory_space<hbm>>) target(%dma_start3A_253 : memref<32x1024xf32, #tpu.memory_space<vmem_shared>>) target_semaphore(%arg37 : memref<!tpu.dma_semaphore, #tpu.memory_space<semaphore_mem>>)
    %dma_wait3A = arith.constant 0 : i32
    %dma_wait3A_257 = arith.constant 0 : i32
    %dma_wait3A_258 = tpu.memref_slice %arg5[%dma_wait3A, %dma_wait3A_257] : memref<1024x1024xf32, #tpu.memory_space<vmem_shared>> -> memref<32x1024xf32, #tpu.memory_space<vmem_shared>>
    %dma_wait3A_259 = arith.constant 0 : i32
    %dma_wait3A_260 = tpu.memref_slice %arg1[%get3A_2, %add3A_3, %dma_wait3A_259] : memref<24x2048x1024xf32, #tpu.memory_space<hbm>> -> memref<1x32x1024xf32, #tpu.memory_space<hbm>>
    %dma_wait3A_261 = tpu.memref_squeeze %dma_wait3A_260 : memref<1x32x1024xf32, #tpu.memory_space<hbm>> -> memref<32x1024xf32, #tpu.memory_space<hbm>>
    tpu.wait_dma2 semaphore(%arg6 : memref<!tpu.dma_semaphore, #tpu.memory_space<semaphore_mem>>) src(%dma_wait3A_261 : memref<32x1024xf32, #tpu.memory_space<hbm>>) dst(%dma_wait3A_258 : memref<32x1024xf32, #tpu.memory_space<vmem_shared>>)
    %add3A_262 = arith.constant 0 : i32
    %add3A_263 = arith.addi %mul3A_0, %add3A_262 : i32
    %dma_start3A_264 = arith.constant 0 : i32
    %dma_start3A_265 = arith.constant 0 : i32
    %dma_start3A_266 = tpu.memref_slice %arg3[%dma_start3A_264, %add3A_263, %dma_start3A_265] : memref<1x2048x1024xf32, #tpu.memory_space<hbm>> -> memref<1x32x1024xf32, #tpu.memory_space<hbm>>
    %dma_start3A_267 = tpu.memref_squeeze %dma_start3A_266 : memref<1x32x1024xf32, #tpu.memory_space<hbm>> -> memref<32x1024xf32, #tpu.memory_space<hbm>>
    %dma_start3A_268 = arith.constant 0 : i32
    %dma_start3A_269 = arith.constant 0 : i32
    %dma_start3A_270 = tpu.memref_slice %arg5[%dma_start3A_268, %dma_start3A_269] : memref<1024x1024xf32, #tpu.memory_space<vmem_shared>> -> memref<32x1024xf32, #tpu.memory_space<vmem_shared>>
    tpu.enqueue_dma source(%dma_start3A_270 : memref<32x1024xf32, #tpu.memory_space<vmem_shared>>) target(%dma_start3A_267 : memref<32x1024xf32, #tpu.memory_space<hbm>>) target_semaphore(%arg38 : memref<!tpu.dma_semaphore, #tpu.memory_space<semaphore_mem>>)
    %dma_wait3A_271 = arith.constant 32 : i32
    %dma_wait3A_272 = arith.constant 0 : i32
    %dma_wait3A_273 = tpu.memref_slice %arg5[%dma_wait3A_271, %dma_wait3A_272] : memref<1024x1024xf32, #tpu.memory_space<vmem_shared>> -> memref<32x1024xf32, #tpu.memory_space<vmem_shared>>
    %dma_wait3A_274 = arith.constant 0 : i32
    %dma_wait3A_275 = tpu.memref_slice %arg1[%get3A_2, %add3A_10, %dma_wait3A_274] : memref<24x2048x1024xf32, #tpu.memory_space<hbm>> -> memref<1x32x1024xf32, #tpu.memory_space<hbm>>
    %dma_wait3A_276 = tpu.memref_squeeze %dma_wait3A_275 : memref<1x32x1024xf32, #tpu.memory_space<hbm>> -> memref<32x1024xf32, #tpu.memory_space<hbm>>
    tpu.wait_dma2 semaphore(%arg7 : memref<!tpu.dma_semaphore, #tpu.memory_space<semaphore_mem>>) src(%dma_wait3A_276 : memref<32x1024xf32, #tpu.memory_space<hbm>>) dst(%dma_wait3A_273 : memref<32x1024xf32, #tpu.memory_space<vmem_shared>>)
    %add3A_277 = arith.constant 32 : i32
    %add3A_278 = arith.addi %mul3A_0, %add3A_277 : i32
    %dma_start3A_279 = arith.constant 0 : i32
    %dma_start3A_280 = arith.constant 0 : i32
    %dma_start3A_281 = tpu.memref_slice %arg3[%dma_start3A_279, %add3A_278, %dma_start3A_280] : memref<1x2048x1024xf32, #tpu.memory_space<hbm>> -> memref<1x32x1024xf32, #tpu.memory_space<hbm>>
    %dma_start3A_282 = tpu.memref_squeeze %dma_start3A_281 : memref<1x32x1024xf32, #tpu.memory_space<hbm>> -> memref<32x1024xf32, #tpu.memory_space<hbm>>
    %dma_start3A_283 = arith.constant 32 : i32
    %dma_start3A_284 = arith.constant 0 : i32
    %dma_start3A_285 = tpu.memref_slice %arg5[%dma_start3A_283, %dma_start3A_284] : memref<1024x1024xf32, #tpu.memory_space<vmem_shared>> -> memref<32x1024xf32, #tpu.memory_space<vmem_shared>>
    tpu.enqueue_dma source(%dma_start3A_285 : memref<32x1024xf32, #tpu.memory_space<vmem_shared>>) target(%dma_start3A_282 : memref<32x1024xf32, #tpu.memory_space<hbm>>) target_semaphore(%arg38 : memref<!tpu.dma_semaphore, #tpu.memory_space<semaphore_mem>>)
    %dma_wait3A_286 = arith.constant 64 : i32
    %dma_wait3A_287 = arith.constant 0 : i32
    %dma_wait3A_288 = tpu.memref_slice %arg5[%dma_wait3A_286, %dma_wait3A_287] : memref<1024x1024xf32, #tpu.memory_space<vmem_shared>> -> memref<32x1024xf32, #tpu.memory_space<vmem_shared>>
    %dma_wait3A_289 = arith.constant 0 : i32
    %dma_wait3A_290 = tpu.memref_slice %arg1[%get3A_2, %add3A_18, %dma_wait3A_289] : memref<24x2048x1024xf32, #tpu.memory_space<hbm>> -> memref<1x32x1024xf32, #tpu.memory_space<hbm>>
    %dma_wait3A_291 = tpu.memref_squeeze %dma_wait3A_290 : memref<1x32x1024xf32, #tpu.memory_space<hbm>> -> memref<32x1024xf32, #tpu.memory_space<hbm>>
    tpu.wait_dma2 semaphore(%arg8 : memref<!tpu.dma_semaphore, #tpu.memory_space<semaphore_mem>>) src(%dma_wait3A_291 : memref<32x1024xf32, #tpu.memory_space<hbm>>) dst(%dma_wait3A_288 : memref<32x1024xf32, #tpu.memory_space<vmem_shared>>)
    %add3A_292 = arith.constant 64 : i32
    %add3A_293 = arith.addi %mul3A_0, %add3A_292 : i32
    %dma_start3A_294 = arith.constant 0 : i32
    %dma_start3A_295 = arith.constant 0 : i32
    %dma_start3A_296 = tpu.memref_slice %arg3[%dma_start3A_294, %add3A_293, %dma_start3A_295] : memref<1x2048x1024xf32, #tpu.memory_space<hbm>> -> memref<1x32x1024xf32, #tpu.memory_space<hbm>>
    %dma_start3A_297 = tpu.memref_squeeze %dma_start3A_296 : memref<1x32x1024xf32, #tpu.memory_space<hbm>> -> memref<32x1024xf32, #tpu.memory_space<hbm>>
    %dma_start3A_298 = arith.constant 64 : i32
    %dma_start3A_299 = arith.constant 0 : i32
    %dma_start3A_300 = tpu.memref_slice %arg5[%dma_start3A_298, %dma_start3A_299] : memref<1024x1024xf32, #tpu.memory_space<vmem_shared>> -> memref<32x1024xf32, #tpu.memory_space<vmem_shared>>
    tpu.enqueue_dma source(%dma_start3A_300 : memref<32x1024xf32, #tpu.memory_space<vmem_shared>>) target(%dma_start3A_297 : memref<32x1024xf32, #tpu.memory_space<hbm>>) target_semaphore(%arg38 : memref<!tpu.dma_semaphore, #tpu.memory_space<semaphore_mem>>)
    %dma_wait3A_301 = arith.constant 96 : i32
    %dma_wait3A_302 = arith.constant 0 : i32
    %dma_wait3A_303 = tpu.memref_slice %arg5[%dma_wait3A_301, %dma_wait3A_302] : memref<1024x1024xf32, #tpu.memory_space<vmem_shared>> -> memref<32x1024xf32, #tpu.memory_space<vmem_shared>>
    %dma_wait3A_304 = arith.constant 0 : i32
    %dma_wait3A_305 = tpu.memref_slice %arg1[%get3A_2, %add3A_26, %dma_wait3A_304] : memref<24x2048x1024xf32, #tpu.memory_space<hbm>> -> memref<1x32x1024xf32, #tpu.memory_space<hbm>>
    %dma_wait3A_306 = tpu.memref_squeeze %dma_wait3A_305 : memref<1x32x1024xf32, #tpu.memory_space<hbm>> -> memref<32x1024xf32, #tpu.memory_space<hbm>>
    tpu.wait_dma2 semaphore(%arg9 : memref<!tpu.dma_semaphore, #tpu.memory_space<semaphore_mem>>) src(%dma_wait3A_306 : memref<32x1024xf32, #tpu.memory_space<hbm>>) dst(%dma_wait3A_303 : memref<32x1024xf32, #tpu.memory_space<vmem_shared>>)
    %add3A_307 = arith.constant 96 : i32
    %add3A_308 = arith.addi %mul3A_0, %add3A_307 : i32
    %dma_start3A_309 = arith.constant 0 : i32
    %dma_start3A_310 = arith.constant 0 : i32
    %dma_start3A_311 = tpu.memref_slice %arg3[%dma_start3A_309, %add3A_308, %dma_start3A_310] : memref<1x2048x1024xf32, #tpu.memory_space<hbm>> -> memref<1x32x1024xf32, #tpu.memory_space<hbm>>
    %dma_start3A_312 = tpu.memref_squeeze %dma_start3A_311 : memref<1x32x1024xf32, #tpu.memory_space<hbm>> -> memref<32x1024xf32, #tpu.memory_space<hbm>>
    %dma_start3A_313 = arith.constant 96 : i32
    %dma_start3A_314 = arith.constant 0 : i32
    %dma_start3A_315 = tpu.memref_slice %arg5[%dma_start3A_313, %dma_start3A_314] : memref<1024x1024xf32, #tpu.memory_space<vmem_shared>> -> memref<32x1024xf32, #tpu.memory_space<vmem_shared>>
    tpu.enqueue_dma source(%dma_start3A_315 : memref<32x1024xf32, #tpu.memory_space<vmem_shared>>) target(%dma_start3A_312 : memref<32x1024xf32, #tpu.memory_space<hbm>>) target_semaphore(%arg38 : memref<!tpu.dma_semaphore, #tpu.memory_space<semaphore_mem>>)
    %dma_wait3A_316 = arith.constant 128 : i32
    %dma_wait3A_317 = arith.constant 0 : i32
    %dma_wait3A_318 = tpu.memref_slice %arg5[%dma_wait3A_316, %dma_wait3A_317] : memref<1024x1024xf32, #tpu.memory_space<vmem_shared>> -> memref<32x1024xf32, #tpu.memory_space<vmem_shared>>
    %dma_wait3A_319 = arith.constant 0 : i32
    %dma_wait3A_320 = tpu.memref_slice %arg1[%get3A_2, %add3A_34, %dma_wait3A_319] : memref<24x2048x1024xf32, #tpu.memory_space<hbm>> -> memref<1x32x1024xf32, #tpu.memory_space<hbm>>
    %dma_wait3A_321 = tpu.memref_squeeze %dma_wait3A_320 : memref<1x32x1024xf32, #tpu.memory_space<hbm>> -> memref<32x1024xf32, #tpu.memory_space<hbm>>
    tpu.wait_dma2 semaphore(%arg10 : memref<!tpu.dma_semaphore, #tpu.memory_space<semaphore_mem>>) src(%dma_wait3A_321 : memref<32x1024xf32, #tpu.memory_space<hbm>>) dst(%dma_wait3A_318 : memref<32x1024xf32, #tpu.memory_space<vmem_shared>>)
    %add3A_322 = arith.constant 128 : i32
    %add3A_323 = arith.addi %mul3A_0, %add3A_322 : i32
    %dma_start3A_324 = arith.constant 0 : i32
    %dma_start3A_325 = arith.constant 0 : i32
    %dma_start3A_326 = tpu.memref_slice %arg3[%dma_start3A_324, %add3A_323, %dma_start3A_325] : memref<1x2048x1024xf32, #tpu.memory_space<hbm>> -> memref<1x32x1024xf32, #tpu.memory_space<hbm>>
    %dma_start3A_327 = tpu.memref_squeeze %dma_start3A_326 : memref<1x32x1024xf32, #tpu.memory_space<hbm>> -> memref<32x1024xf32, #tpu.memory_space<hbm>>
    %dma_start3A_328 = arith.constant 128 : i32
    %dma_start3A_329 = arith.constant 0 : i32
    %dma_start3A_330 = tpu.memref_slice %arg5[%dma_start3A_328, %dma_start3A_329] : memref<1024x1024xf32, #tpu.memory_space<vmem_shared>> -> memref<32x1024xf32, #tpu.memory_space<vmem_shared>>
    tpu.enqueue_dma source(%dma_start3A_330 : memref<32x1024xf32, #tpu.memory_space<vmem_shared>>) target(%dma_start3A_327 : memref<32x1024xf32, #tpu.memory_space<hbm>>) target_semaphore(%arg38 : memref<!tpu.dma_semaphore, #tpu.memory_space<semaphore_mem>>)
    %dma_wait3A_331 = arith.constant 160 : i32
    %dma_wait3A_332 = arith.constant 0 : i32
    %dma_wait3A_333 = tpu.memref_slice %arg5[%dma_wait3A_331, %dma_wait3A_332] : memref<1024x1024xf32, #tpu.memory_space<vmem_shared>> -> memref<32x1024xf32, #tpu.memory_space<vmem_shared>>
    %dma_wait3A_334 = arith.constant 0 : i32
    %dma_wait3A_335 = tpu.memref_slice %arg1[%get3A_2, %add3A_42, %dma_wait3A_334] : memref<24x2048x1024xf32, #tpu.memory_space<hbm>> -> memref<1x32x1024xf32, #tpu.memory_space<hbm>>
    %dma_wait3A_336 = tpu.memref_squeeze %dma_wait3A_335 : memref<1x32x1024xf32, #tpu.memory_space<hbm>> -> memref<32x1024xf32, #tpu.memory_space<hbm>>
    tpu.wait_dma2 semaphore(%arg11 : memref<!tpu.dma_semaphore, #tpu.memory_space<semaphore_mem>>) src(%dma_wait3A_336 : memref<32x1024xf32, #tpu.memory_space<hbm>>) dst(%dma_wait3A_333 : memref<32x1024xf32, #tpu.memory_space<vmem_shared>>)
    %add3A_337 = arith.constant 160 : i32
    %add3A_338 = arith.addi %mul3A_0, %add3A_337 : i32
    %dma_start3A_339 = arith.constant 0 : i32
    %dma_start3A_340 = arith.constant 0 : i32
    %dma_start3A_341 = tpu.memref_slice %arg3[%dma_start3A_339, %add3A_338, %dma_start3A_340] : memref<1x2048x1024xf32, #tpu.memory_space<hbm>> -> memref<1x32x1024xf32, #tpu.memory_space<hbm>>
    %dma_start3A_342 = tpu.memref_squeeze %dma_start3A_341 : memref<1x32x1024xf32, #tpu.memory_space<hbm>> -> memref<32x1024xf32, #tpu.memory_space<hbm>>
    %dma_start3A_343 = arith.constant 160 : i32
    %dma_start3A_344 = arith.constant 0 : i32
    %dma_start3A_345 = tpu.memref_slice %arg5[%dma_start3A_343, %dma_start3A_344] : memref<1024x1024xf32, #tpu.memory_space<vmem_shared>> -> memref<32x1024xf32, #tpu.memory_space<vmem_shared>>
    tpu.enqueue_dma source(%dma_start3A_345 : memref<32x1024xf32, #tpu.memory_space<vmem_shared>>) target(%dma_start3A_342 : memref<32x1024xf32, #tpu.memory_space<hbm>>) target_semaphore(%arg38 : memref<!tpu.dma_semaphore, #tpu.memory_space<semaphore_mem>>)
    %dma_wait3A_346 = arith.constant 192 : i32
    %dma_wait3A_347 = arith.constant 0 : i32
    %dma_wait3A_348 = tpu.memref_slice %arg5[%dma_wait3A_346, %dma_wait3A_347] : memref<1024x1024xf32, #tpu.memory_space<vmem_shared>> -> memref<32x1024xf32, #tpu.memory_space<vmem_shared>>
    %dma_wait3A_349 = arith.constant 0 : i32
    %dma_wait3A_350 = tpu.memref_slice %arg1[%get3A_2, %add3A_50, %dma_wait3A_349] : memref<24x2048x1024xf32, #tpu.memory_space<hbm>> -> memref<1x32x1024xf32, #tpu.memory_space<hbm>>
    %dma_wait3A_351 = tpu.memref_squeeze %dma_wait3A_350 : memref<1x32x1024xf32, #tpu.memory_space<hbm>> -> memref<32x1024xf32, #tpu.memory_space<hbm>>
    tpu.wait_dma2 semaphore(%arg12 : memref<!tpu.dma_semaphore, #tpu.memory_space<semaphore_mem>>) src(%dma_wait3A_351 : memref<32x1024xf32, #tpu.memory_space<hbm>>) dst(%dma_wait3A_348 : memref<32x1024xf32, #tpu.memory_space<vmem_shared>>)
    %add3A_352 = arith.constant 192 : i32
    %add3A_353 = arith.addi %mul3A_0, %add3A_352 : i32
    %dma_start3A_354 = arith.constant 0 : i32
    %dma_start3A_355 = arith.constant 0 : i32
    %dma_start3A_356 = tpu.memref_slice %arg3[%dma_start3A_354, %add3A_353, %dma_start3A_355] : memref<1x2048x1024xf32, #tpu.memory_space<hbm>> -> memref<1x32x1024xf32, #tpu.memory_space<hbm>>
    %dma_start3A_357 = tpu.memref_squeeze %dma_start3A_356 : memref<1x32x1024xf32, #tpu.memory_space<hbm>> -> memref<32x1024xf32, #tpu.memory_space<hbm>>
    %dma_start3A_358 = arith.constant 192 : i32
    %dma_start3A_359 = arith.constant 0 : i32
    %dma_start3A_360 = tpu.memref_slice %arg5[%dma_start3A_358, %dma_start3A_359] : memref<1024x1024xf32, #tpu.memory_space<vmem_shared>> -> memref<32x1024xf32, #tpu.memory_space<vmem_shared>>
    tpu.enqueue_dma source(%dma_start3A_360 : memref<32x1024xf32, #tpu.memory_space<vmem_shared>>) target(%dma_start3A_357 : memref<32x1024xf32, #tpu.memory_space<hbm>>) target_semaphore(%arg38 : memref<!tpu.dma_semaphore, #tpu.memory_space<semaphore_mem>>)
    %dma_wait3A_361 = arith.constant 224 : i32
    %dma_wait3A_362 = arith.constant 0 : i32
    %dma_wait3A_363 = tpu.memref_slice %arg5[%dma_wait3A_361, %dma_wait3A_362] : memref<1024x1024xf32, #tpu.memory_space<vmem_shared>> -> memref<32x1024xf32, #tpu.memory_space<vmem_shared>>
    %dma_wait3A_364 = arith.constant 0 : i32
    %dma_wait3A_365 = tpu.memref_slice %arg1[%get3A_2, %add3A_58, %dma_wait3A_364] : memref<24x2048x1024xf32, #tpu.memory_space<hbm>> -> memref<1x32x1024xf32, #tpu.memory_space<hbm>>
    %dma_wait3A_366 = tpu.memref_squeeze %dma_wait3A_365 : memref<1x32x1024xf32, #tpu.memory_space<hbm>> -> memref<32x1024xf32, #tpu.memory_space<hbm>>
    tpu.wait_dma2 semaphore(%arg13 : memref<!tpu.dma_semaphore, #tpu.memory_space<semaphore_mem>>) src(%dma_wait3A_366 : memref<32x1024xf32, #tpu.memory_space<hbm>>) dst(%dma_wait3A_363 : memref<32x1024xf32, #tpu.memory_space<vmem_shared>>)
    %add3A_367 = arith.constant 224 : i32
    %add3A_368 = arith.addi %mul3A_0, %add3A_367 : i32
    %dma_start3A_369 = arith.constant 0 : i32
    %dma_start3A_370 = arith.constant 0 : i32
    %dma_start3A_371 = tpu.memref_slice %arg3[%dma_start3A_369, %add3A_368, %dma_start3A_370] : memref<1x2048x1024xf32, #tpu.memory_space<hbm>> -> memref<1x32x1024xf32, #tpu.memory_space<hbm>>
    %dma_start3A_372 = tpu.memref_squeeze %dma_start3A_371 : memref<1x32x1024xf32, #tpu.memory_space<hbm>> -> memref<32x1024xf32, #tpu.memory_space<hbm>>
    %dma_start3A_373 = arith.constant 224 : i32
    %dma_start3A_374 = arith.constant 0 : i32
    %dma_start3A_375 = tpu.memref_slice %arg5[%dma_start3A_373, %dma_start3A_374] : memref<1024x1024xf32, #tpu.memory_space<vmem_shared>> -> memref<32x1024xf32, #tpu.memory_space<vmem_shared>>
    tpu.enqueue_dma source(%dma_start3A_375 : memref<32x1024xf32, #tpu.memory_space<vmem_shared>>) target(%dma_start3A_372 : memref<32x1024xf32, #tpu.memory_space<hbm>>) target_semaphore(%arg38 : memref<!tpu.dma_semaphore, #tpu.memory_space<semaphore_mem>>)
    %dma_wait3A_376 = arith.constant 256 : i32
    %dma_wait3A_377 = arith.constant 0 : i32
    %dma_wait3A_378 = tpu.memref_slice %arg5[%dma_wait3A_376, %dma_wait3A_377] : memref<1024x1024xf32, #tpu.memory_space<vmem_shared>> -> memref<32x1024xf32, #tpu.memory_space<vmem_shared>>
    %dma_wait3A_379 = arith.constant 0 : i32
    %dma_wait3A_380 = tpu.memref_slice %arg1[%get3A_2, %add3A_66, %dma_wait3A_379] : memref<24x2048x1024xf32, #tpu.memory_space<hbm>> -> memref<1x32x1024xf32, #tpu.memory_space<hbm>>
    %dma_wait3A_381 = tpu.memref_squeeze %dma_wait3A_380 : memref<1x32x1024xf32, #tpu.memory_space<hbm>> -> memref<32x1024xf32, #tpu.memory_space<hbm>>
    tpu.wait_dma2 semaphore(%arg14 : memref<!tpu.dma_semaphore, #tpu.memory_space<semaphore_mem>>) src(%dma_wait3A_381 : memref<32x1024xf32, #tpu.memory_space<hbm>>) dst(%dma_wait3A_378 : memref<32x1024xf32, #tpu.memory_space<vmem_shared>>)
    %add3A_382 = arith.constant 256 : i32
    %add3A_383 = arith.addi %mul3A_0, %add3A_382 : i32
    %dma_start3A_384 = arith.constant 0 : i32
    %dma_start3A_385 = arith.constant 0 : i32
    %dma_start3A_386 = tpu.memref_slice %arg3[%dma_start3A_384, %add3A_383, %dma_start3A_385] : memref<1x2048x1024xf32, #tpu.memory_space<hbm>> -> memref<1x32x1024xf32, #tpu.memory_space<hbm>>
    %dma_start3A_387 = tpu.memref_squeeze %dma_start3A_386 : memref<1x32x1024xf32, #tpu.memory_space<hbm>> -> memref<32x1024xf32, #tpu.memory_space<hbm>>
    %dma_start3A_388 = arith.constant 256 : i32
    %dma_start3A_389 = arith.constant 0 : i32
    %dma_start3A_390 = tpu.memref_slice %arg5[%dma_start3A_388, %dma_start3A_389] : memref<1024x1024xf32, #tpu.memory_space<vmem_shared>> -> memref<32x1024xf32, #tpu.memory_space<vmem_shared>>
    tpu.enqueue_dma source(%dma_start3A_390 : memref<32x1024xf32, #tpu.memory_space<vmem_shared>>) target(%dma_start3A_387 : memref<32x1024xf32, #tpu.memory_space<hbm>>) target_semaphore(%arg38 : memref<!tpu.dma_semaphore, #tpu.memory_space<semaphore_mem>>)
    %dma_wait3A_391 = arith.constant 288 : i32
    %dma_wait3A_392 = arith.constant 0 : i32
    %dma_wait3A_393 = tpu.memref_slice %arg5[%dma_wait3A_391, %dma_wait3A_392] : memref<1024x1024xf32, #tpu.memory_space<vmem_shared>> -> memref<32x1024xf32, #tpu.memory_space<vmem_shared>>
    %dma_wait3A_394 = arith.constant 0 : i32
    %dma_wait3A_395 = tpu.memref_slice %arg1[%get3A_2, %add3A_74, %dma_wait3A_394] : memref<24x2048x1024xf32, #tpu.memory_space<hbm>> -> memref<1x32x1024xf32, #tpu.memory_space<hbm>>
    %dma_wait3A_396 = tpu.memref_squeeze %dma_wait3A_395 : memref<1x32x1024xf32, #tpu.memory_space<hbm>> -> memref<32x1024xf32, #tpu.memory_space<hbm>>
    tpu.wait_dma2 semaphore(%arg15 : memref<!tpu.dma_semaphore, #tpu.memory_space<semaphore_mem>>) src(%dma_wait3A_396 : memref<32x1024xf32, #tpu.memory_space<hbm>>) dst(%dma_wait3A_393 : memref<32x1024xf32, #tpu.memory_space<vmem_shared>>)
    %add3A_397 = arith.constant 288 : i32
    %add3A_398 = arith.addi %mul3A_0, %add3A_397 : i32
    %dma_start3A_399 = arith.constant 0 : i32
    %dma_start3A_400 = arith.constant 0 : i32
    %dma_start3A_401 = tpu.memref_slice %arg3[%dma_start3A_399, %add3A_398, %dma_start3A_400] : memref<1x2048x1024xf32, #tpu.memory_space<hbm>> -> memref<1x32x1024xf32, #tpu.memory_space<hbm>>
    %dma_start3A_402 = tpu.memref_squeeze %dma_start3A_401 : memref<1x32x1024xf32, #tpu.memory_space<hbm>> -> memref<32x1024xf32, #tpu.memory_space<hbm>>
    %dma_start3A_403 = arith.constant 288 : i32
    %dma_start3A_404 = arith.constant 0 : i32
    %dma_start3A_405 = tpu.memref_slice %arg5[%dma_start3A_403, %dma_start3A_404] : memref<1024x1024xf32, #tpu.memory_space<vmem_shared>> -> memref<32x1024xf32, #tpu.memory_space<vmem_shared>>
    tpu.enqueue_dma source(%dma_start3A_405 : memref<32x1024xf32, #tpu.memory_space<vmem_shared>>) target(%dma_start3A_402 : memref<32x1024xf32, #tpu.memory_space<hbm>>) target_semaphore(%arg38 : memref<!tpu.dma_semaphore, #tpu.memory_space<semaphore_mem>>)
    %dma_wait3A_406 = arith.constant 320 : i32
    %dma_wait3A_407 = arith.constant 0 : i32
    %dma_wait3A_408 = tpu.memref_slice %arg5[%dma_wait3A_406, %dma_wait3A_407] : memref<1024x1024xf32, #tpu.memory_space<vmem_shared>> -> memref<32x1024xf32, #tpu.memory_space<vmem_shared>>
    %dma_wait3A_409 = arith.constant 0 : i32
    %dma_wait3A_410 = tpu.memref_slice %arg1[%get3A_2, %add3A_82, %dma_wait3A_409] : memref<24x2048x1024xf32, #tpu.memory_space<hbm>> -> memref<1x32x1024xf32, #tpu.memory_space<hbm>>
    %dma_wait3A_411 = tpu.memref_squeeze %dma_wait3A_410 : memref<1x32x1024xf32, #tpu.memory_space<hbm>> -> memref<32x1024xf32, #tpu.memory_space<hbm>>
    tpu.wait_dma2 semaphore(%arg16 : memref<!tpu.dma_semaphore, #tpu.memory_space<semaphore_mem>>) src(%dma_wait3A_411 : memref<32x1024xf32, #tpu.memory_space<hbm>>) dst(%dma_wait3A_408 : memref<32x1024xf32, #tpu.memory_space<vmem_shared>>)
    %add3A_412 = arith.constant 320 : i32
    %add3A_413 = arith.addi %mul3A_0, %add3A_412 : i32
    %dma_start3A_414 = arith.constant 0 : i32
    %dma_start3A_415 = arith.constant 0 : i32
    %dma_start3A_416 = tpu.memref_slice %arg3[%dma_start3A_414, %add3A_413, %dma_start3A_415] : memref<1x2048x1024xf32, #tpu.memory_space<hbm>> -> memref<1x32x1024xf32, #tpu.memory_space<hbm>>
    %dma_start3A_417 = tpu.memref_squeeze %dma_start3A_416 : memref<1x32x1024xf32, #tpu.memory_space<hbm>> -> memref<32x1024xf32, #tpu.memory_space<hbm>>
    %dma_start3A_418 = arith.constant 320 : i32
    %dma_start3A_419 = arith.constant 0 : i32
    %dma_start3A_420 = tpu.memref_slice %arg5[%dma_start3A_418, %dma_start3A_419] : memref<1024x1024xf32, #tpu.memory_space<vmem_shared>> -> memref<32x1024xf32, #tpu.memory_space<vmem_shared>>
    tpu.enqueue_dma source(%dma_start3A_420 : memref<32x1024xf32, #tpu.memory_space<vmem_shared>>) target(%dma_start3A_417 : memref<32x1024xf32, #tpu.memory_space<hbm>>) target_semaphore(%arg38 : memref<!tpu.dma_semaphore, #tpu.memory_space<semaphore_mem>>)
    %dma_wait3A_421 = arith.constant 352 : i32
    %dma_wait3A_422 = arith.constant 0 : i32
    %dma_wait3A_423 = tpu.memref_slice %arg5[%dma_wait3A_421, %dma_wait3A_422] : memref<1024x1024xf32, #tpu.memory_space<vmem_shared>> -> memref<32x1024xf32, #tpu.memory_space<vmem_shared>>
    %dma_wait3A_424 = arith.constant 0 : i32
    %dma_wait3A_425 = tpu.memref_slice %arg1[%get3A_2, %add3A_90, %dma_wait3A_424] : memref<24x2048x1024xf32, #tpu.memory_space<hbm>> -> memref<1x32x1024xf32, #tpu.memory_space<hbm>>
    %dma_wait3A_426 = tpu.memref_squeeze %dma_wait3A_425 : memref<1x32x1024xf32, #tpu.memory_space<hbm>> -> memref<32x1024xf32, #tpu.memory_space<hbm>>
    tpu.wait_dma2 semaphore(%arg17 : memref<!tpu.dma_semaphore, #tpu.memory_space<semaphore_mem>>) src(%dma_wait3A_426 : memref<32x1024xf32, #tpu.memory_space<hbm>>) dst(%dma_wait3A_423 : memref<32x1024xf32, #tpu.memory_space<vmem_shared>>)
    %add3A_427 = arith.constant 352 : i32
    %add3A_428 = arith.addi %mul3A_0, %add3A_427 : i32
    %dma_start3A_429 = arith.constant 0 : i32
    %dma_start3A_430 = arith.constant 0 : i32
    %dma_start3A_431 = tpu.memref_slice %arg3[%dma_start3A_429, %add3A_428, %dma_start3A_430] : memref<1x2048x1024xf32, #tpu.memory_space<hbm>> -> memref<1x32x1024xf32, #tpu.memory_space<hbm>>
    %dma_start3A_432 = tpu.memref_squeeze %dma_start3A_431 : memref<1x32x1024xf32, #tpu.memory_space<hbm>> -> memref<32x1024xf32, #tpu.memory_space<hbm>>
    %dma_start3A_433 = arith.constant 352 : i32
    %dma_start3A_434 = arith.constant 0 : i32
    %dma_start3A_435 = tpu.memref_slice %arg5[%dma_start3A_433, %dma_start3A_434] : memref<1024x1024xf32, #tpu.memory_space<vmem_shared>> -> memref<32x1024xf32, #tpu.memory_space<vmem_shared>>
    tpu.enqueue_dma source(%dma_start3A_435 : memref<32x1024xf32, #tpu.memory_space<vmem_shared>>) target(%dma_start3A_432 : memref<32x1024xf32, #tpu.memory_space<hbm>>) target_semaphore(%arg38 : memref<!tpu.dma_semaphore, #tpu.memory_space<semaphore_mem>>)
    %dma_wait3A_436 = arith.constant 384 : i32
    %dma_wait3A_437 = arith.constant 0 : i32
    %dma_wait3A_438 = tpu.memref_slice %arg5[%dma_wait3A_436, %dma_wait3A_437] : memref<1024x1024xf32, #tpu.memory_space<vmem_shared>> -> memref<32x1024xf32, #tpu.memory_space<vmem_shared>>
    %dma_wait3A_439 = arith.constant 0 : i32
    %dma_wait3A_440 = tpu.memref_slice %arg1[%get3A_2, %add3A_98, %dma_wait3A_439] : memref<24x2048x1024xf32, #tpu.memory_space<hbm>> -> memref<1x32x1024xf32, #tpu.memory_space<hbm>>
    %dma_wait3A_441 = tpu.memref_squeeze %dma_wait3A_440 : memref<1x32x1024xf32, #tpu.memory_space<hbm>> -> memref<32x1024xf32, #tpu.memory_space<hbm>>
    tpu.wait_dma2 semaphore(%arg18 : memref<!tpu.dma_semaphore, #tpu.memory_space<semaphore_mem>>) src(%dma_wait3A_441 : memref<32x1024xf32, #tpu.memory_space<hbm>>) dst(%dma_wait3A_438 : memref<32x1024xf32, #tpu.memory_space<vmem_shared>>)
    %add3A_442 = arith.constant 384 : i32
    %add3A_443 = arith.addi %mul3A_0, %add3A_442 : i32
    %dma_start3A_444 = arith.constant 0 : i32
    %dma_start3A_445 = arith.constant 0 : i32
    %dma_start3A_446 = tpu.memref_slice %arg3[%dma_start3A_444, %add3A_443, %dma_start3A_445] : memref<1x2048x1024xf32, #tpu.memory_space<hbm>> -> memref<1x32x1024xf32, #tpu.memory_space<hbm>>
    %dma_start3A_447 = tpu.memref_squeeze %dma_start3A_446 : memref<1x32x1024xf32, #tpu.memory_space<hbm>> -> memref<32x1024xf32, #tpu.memory_space<hbm>>
    %dma_start3A_448 = arith.constant 384 : i32
    %dma_start3A_449 = arith.constant 0 : i32
    %dma_start3A_450 = tpu.memref_slice %arg5[%dma_start3A_448, %dma_start3A_449] : memref<1024x1024xf32, #tpu.memory_space<vmem_shared>> -> memref<32x1024xf32, #tpu.memory_space<vmem_shared>>
    tpu.enqueue_dma source(%dma_start3A_450 : memref<32x1024xf32, #tpu.memory_space<vmem_shared>>) target(%dma_start3A_447 : memref<32x1024xf32, #tpu.memory_space<hbm>>) target_semaphore(%arg38 : memref<!tpu.dma_semaphore, #tpu.memory_space<semaphore_mem>>)
    %dma_wait3A_451 = arith.constant 416 : i32
    %dma_wait3A_452 = arith.constant 0 : i32
    %dma_wait3A_453 = tpu.memref_slice %arg5[%dma_wait3A_451, %dma_wait3A_452] : memref<1024x1024xf32, #tpu.memory_space<vmem_shared>> -> memref<32x1024xf32, #tpu.memory_space<vmem_shared>>
    %dma_wait3A_454 = arith.constant 0 : i32
    %dma_wait3A_455 = tpu.memref_slice %arg1[%get3A_2, %add3A_106, %dma_wait3A_454] : memref<24x2048x1024xf32, #tpu.memory_space<hbm>> -> memref<1x32x1024xf32, #tpu.memory_space<hbm>>
    %dma_wait3A_456 = tpu.memref_squeeze %dma_wait3A_455 : memref<1x32x1024xf32, #tpu.memory_space<hbm>> -> memref<32x1024xf32, #tpu.memory_space<hbm>>
    tpu.wait_dma2 semaphore(%arg19 : memref<!tpu.dma_semaphore, #tpu.memory_space<semaphore_mem>>) src(%dma_wait3A_456 : memref<32x1024xf32, #tpu.memory_space<hbm>>) dst(%dma_wait3A_453 : memref<32x1024xf32, #tpu.memory_space<vmem_shared>>)
    %add3A_457 = arith.constant 416 : i32
    %add3A_458 = arith.addi %mul3A_0, %add3A_457 : i32
    %dma_start3A_459 = arith.constant 0 : i32
    %dma_start3A_460 = arith.constant 0 : i32
    %dma_start3A_461 = tpu.memref_slice %arg3[%dma_start3A_459, %add3A_458, %dma_start3A_460] : memref<1x2048x1024xf32, #tpu.memory_space<hbm>> -> memref<1x32x1024xf32, #tpu.memory_space<hbm>>
    %dma_start3A_462 = tpu.memref_squeeze %dma_start3A_461 : memref<1x32x1024xf32, #tpu.memory_space<hbm>> -> memref<32x1024xf32, #tpu.memory_space<hbm>>
    %dma_start3A_463 = arith.constant 416 : i32
    %dma_start3A_464 = arith.constant 0 : i32
    %dma_start3A_465 = tpu.memref_slice %arg5[%dma_start3A_463, %dma_start3A_464] : memref<1024x1024xf32, #tpu.memory_space<vmem_shared>> -> memref<32x1024xf32, #tpu.memory_space<vmem_shared>>
    tpu.enqueue_dma source(%dma_start3A_465 : memref<32x1024xf32, #tpu.memory_space<vmem_shared>>) target(%dma_start3A_462 : memref<32x1024xf32, #tpu.memory_space<hbm>>) target_semaphore(%arg38 : memref<!tpu.dma_semaphore, #tpu.memory_space<semaphore_mem>>)
    %dma_wait3A_466 = arith.constant 448 : i32
    %dma_wait3A_467 = arith.constant 0 : i32
    %dma_wait3A_468 = tpu.memref_slice %arg5[%dma_wait3A_466, %dma_wait3A_467] : memref<1024x1024xf32, #tpu.memory_space<vmem_shared>> -> memref<32x1024xf32, #tpu.memory_space<vmem_shared>>
    %dma_wait3A_469 = arith.constant 0 : i32
    %dma_wait3A_470 = tpu.memref_slice %arg1[%get3A_2, %add3A_114, %dma_wait3A_469] : memref<24x2048x1024xf32, #tpu.memory_space<hbm>> -> memref<1x32x1024xf32, #tpu.memory_space<hbm>>
    %dma_wait3A_471 = tpu.memref_squeeze %dma_wait3A_470 : memref<1x32x1024xf32, #tpu.memory_space<hbm>> -> memref<32x1024xf32, #tpu.memory_space<hbm>>
    tpu.wait_dma2 semaphore(%arg20 : memref<!tpu.dma_semaphore, #tpu.memory_space<semaphore_mem>>) src(%dma_wait3A_471 : memref<32x1024xf32, #tpu.memory_space<hbm>>) dst(%dma_wait3A_468 : memref<32x1024xf32, #tpu.memory_space<vmem_shared>>)
    %add3A_472 = arith.constant 448 : i32
    %add3A_473 = arith.addi %mul3A_0, %add3A_472 : i32
    %dma_start3A_474 = arith.constant 0 : i32
    %dma_start3A_475 = arith.constant 0 : i32
    %dma_start3A_476 = tpu.memref_slice %arg3[%dma_start3A_474, %add3A_473, %dma_start3A_475] : memref<1x2048x1024xf32, #tpu.memory_space<hbm>> -> memref<1x32x1024xf32, #tpu.memory_space<hbm>>
    %dma_start3A_477 = tpu.memref_squeeze %dma_start3A_476 : memref<1x32x1024xf32, #tpu.memory_space<hbm>> -> memref<32x1024xf32, #tpu.memory_space<hbm>>
    %dma_start3A_478 = arith.constant 448 : i32
    %dma_start3A_479 = arith.constant 0 : i32
    %dma_start3A_480 = tpu.memref_slice %arg5[%dma_start3A_478, %dma_start3A_479] : memref<1024x1024xf32, #tpu.memory_space<vmem_shared>> -> memref<32x1024xf32, #tpu.memory_space<vmem_shared>>
    tpu.enqueue_dma source(%dma_start3A_480 : memref<32x1024xf32, #tpu.memory_space<vmem_shared>>) target(%dma_start3A_477 : memref<32x1024xf32, #tpu.memory_space<hbm>>) target_semaphore(%arg38 : memref<!tpu.dma_semaphore, #tpu.memory_space<semaphore_mem>>)
    %dma_wait3A_481 = arith.constant 480 : i32
    %dma_wait3A_482 = arith.constant 0 : i32
    %dma_wait3A_483 = tpu.memref_slice %arg5[%dma_wait3A_481, %dma_wait3A_482] : memref<1024x1024xf32, #tpu.memory_space<vmem_shared>> -> memref<32x1024xf32, #tpu.memory_space<vmem_shared>>
    %dma_wait3A_484 = arith.constant 0 : i32
    %dma_wait3A_485 = tpu.memref_slice %arg1[%get3A_2, %add3A_122, %dma_wait3A_484] : memref<24x2048x1024xf32, #tpu.memory_space<hbm>> -> memref<1x32x1024xf32, #tpu.memory_space<hbm>>
    %dma_wait3A_486 = tpu.memref_squeeze %dma_wait3A_485 : memref<1x32x1024xf32, #tpu.memory_space<hbm>> -> memref<32x1024xf32, #tpu.memory_space<hbm>>
    tpu.wait_dma2 semaphore(%arg21 : memref<!tpu.dma_semaphore, #tpu.memory_space<semaphore_mem>>) src(%dma_wait3A_486 : memref<32x1024xf32, #tpu.memory_space<hbm>>) dst(%dma_wait3A_483 : memref<32x1024xf32, #tpu.memory_space<vmem_shared>>)
    %add3A_487 = arith.constant 480 : i32
    %add3A_488 = arith.addi %mul3A_0, %add3A_487 : i32
    %dma_start3A_489 = arith.constant 0 : i32
    %dma_start3A_490 = arith.constant 0 : i32
    %dma_start3A_491 = tpu.memref_slice %arg3[%dma_start3A_489, %add3A_488, %dma_start3A_490] : memref<1x2048x1024xf32, #tpu.memory_space<hbm>> -> memref<1x32x1024xf32, #tpu.memory_space<hbm>>
    %dma_start3A_492 = tpu.memref_squeeze %dma_start3A_491 : memref<1x32x1024xf32, #tpu.memory_space<hbm>> -> memref<32x1024xf32, #tpu.memory_space<hbm>>
    %dma_start3A_493 = arith.constant 480 : i32
    %dma_start3A_494 = arith.constant 0 : i32
    %dma_start3A_495 = tpu.memref_slice %arg5[%dma_start3A_493, %dma_start3A_494] : memref<1024x1024xf32, #tpu.memory_space<vmem_shared>> -> memref<32x1024xf32, #tpu.memory_space<vmem_shared>>
    tpu.enqueue_dma source(%dma_start3A_495 : memref<32x1024xf32, #tpu.memory_space<vmem_shared>>) target(%dma_start3A_492 : memref<32x1024xf32, #tpu.memory_space<hbm>>) target_semaphore(%arg38 : memref<!tpu.dma_semaphore, #tpu.memory_space<semaphore_mem>>)
    %dma_wait3A_496 = arith.constant 512 : i32
    %dma_wait3A_497 = arith.constant 0 : i32
    %dma_wait3A_498 = tpu.memref_slice %arg5[%dma_wait3A_496, %dma_wait3A_497] : memref<1024x1024xf32, #tpu.memory_space<vmem_shared>> -> memref<32x1024xf32, #tpu.memory_space<vmem_shared>>
    %dma_wait3A_499 = arith.constant 0 : i32
    %dma_wait3A_500 = tpu.memref_slice %arg1[%get3A_2, %add3A_130, %dma_wait3A_499] : memref<24x2048x1024xf32, #tpu.memory_space<hbm>> -> memref<1x32x1024xf32, #tpu.memory_space<hbm>>
    %dma_wait3A_501 = tpu.memref_squeeze %dma_wait3A_500 : memref<1x32x1024xf32, #tpu.memory_space<hbm>> -> memref<32x1024xf32, #tpu.memory_space<hbm>>
    tpu.wait_dma2 semaphore(%arg22 : memref<!tpu.dma_semaphore, #tpu.memory_space<semaphore_mem>>) src(%dma_wait3A_501 : memref<32x1024xf32, #tpu.memory_space<hbm>>) dst(%dma_wait3A_498 : memref<32x1024xf32, #tpu.memory_space<vmem_shared>>)
    %add3A_502 = arith.constant 512 : i32
    %add3A_503 = arith.addi %mul3A_0, %add3A_502 : i32
    %dma_start3A_504 = arith.constant 0 : i32
    %dma_start3A_505 = arith.constant 0 : i32
    %dma_start3A_506 = tpu.memref_slice %arg3[%dma_start3A_504, %add3A_503, %dma_start3A_505] : memref<1x2048x1024xf32, #tpu.memory_space<hbm>> -> memref<1x32x1024xf32, #tpu.memory_space<hbm>>
    %dma_start3A_507 = tpu.memref_squeeze %dma_start3A_506 : memref<1x32x1024xf32, #tpu.memory_space<hbm>> -> memref<32x1024xf32, #tpu.memory_space<hbm>>
    %dma_start3A_508 = arith.constant 512 : i32
    %dma_start3A_509 = arith.constant 0 : i32
    %dma_start3A_510 = tpu.memref_slice %arg5[%dma_start3A_508, %dma_start3A_509] : memref<1024x1024xf32, #tpu.memory_space<vmem_shared>> -> memref<32x1024xf32, #tpu.memory_space<vmem_shared>>
    tpu.enqueue_dma source(%dma_start3A_510 : memref<32x1024xf32, #tpu.memory_space<vmem_shared>>) target(%dma_start3A_507 : memref<32x1024xf32, #tpu.memory_space<hbm>>) target_semaphore(%arg38 : memref<!tpu.dma_semaphore, #tpu.memory_space<semaphore_mem>>)
    %dma_wait3A_511 = arith.constant 544 : i32
    %dma_wait3A_512 = arith.constant 0 : i32
    %dma_wait3A_513 = tpu.memref_slice %arg5[%dma_wait3A_511, %dma_wait3A_512] : memref<1024x1024xf32, #tpu.memory_space<vmem_shared>> -> memref<32x1024xf32, #tpu.memory_space<vmem_shared>>
    %dma_wait3A_514 = arith.constant 0 : i32
    %dma_wait3A_515 = tpu.memref_slice %arg1[%get3A_2, %add3A_138, %dma_wait3A_514] : memref<24x2048x1024xf32, #tpu.memory_space<hbm>> -> memref<1x32x1024xf32, #tpu.memory_space<hbm>>
    %dma_wait3A_516 = tpu.memref_squeeze %dma_wait3A_515 : memref<1x32x1024xf32, #tpu.memory_space<hbm>> -> memref<32x1024xf32, #tpu.memory_space<hbm>>
    tpu.wait_dma2 semaphore(%arg23 : memref<!tpu.dma_semaphore, #tpu.memory_space<semaphore_mem>>) src(%dma_wait3A_516 : memref<32x1024xf32, #tpu.memory_space<hbm>>) dst(%dma_wait3A_513 : memref<32x1024xf32, #tpu.memory_space<vmem_shared>>)
    %add3A_517 = arith.constant 544 : i32
    %add3A_518 = arith.addi %mul3A_0, %add3A_517 : i32
    %dma_start3A_519 = arith.constant 0 : i32
    %dma_start3A_520 = arith.constant 0 : i32
    %dma_start3A_521 = tpu.memref_slice %arg3[%dma_start3A_519, %add3A_518, %dma_start3A_520] : memref<1x2048x1024xf32, #tpu.memory_space<hbm>> -> memref<1x32x1024xf32, #tpu.memory_space<hbm>>
    %dma_start3A_522 = tpu.memref_squeeze %dma_start3A_521 : memref<1x32x1024xf32, #tpu.memory_space<hbm>> -> memref<32x1024xf32, #tpu.memory_space<hbm>>
    %dma_start3A_523 = arith.constant 544 : i32
    %dma_start3A_524 = arith.constant 0 : i32
    %dma_start3A_525 = tpu.memref_slice %arg5[%dma_start3A_523, %dma_start3A_524] : memref<1024x1024xf32, #tpu.memory_space<vmem_shared>> -> memref<32x1024xf32, #tpu.memory_space<vmem_shared>>
    tpu.enqueue_dma source(%dma_start3A_525 : memref<32x1024xf32, #tpu.memory_space<vmem_shared>>) target(%dma_start3A_522 : memref<32x1024xf32, #tpu.memory_space<hbm>>) target_semaphore(%arg38 : memref<!tpu.dma_semaphore, #tpu.memory_space<semaphore_mem>>)
    %dma_wait3A_526 = arith.constant 576 : i32
    %dma_wait3A_527 = arith.constant 0 : i32
    %dma_wait3A_528 = tpu.memref_slice %arg5[%dma_wait3A_526, %dma_wait3A_527] : memref<1024x1024xf32, #tpu.memory_space<vmem_shared>> -> memref<32x1024xf32, #tpu.memory_space<vmem_shared>>
    %dma_wait3A_529 = arith.constant 0 : i32
    %dma_wait3A_530 = tpu.memref_slice %arg1[%get3A_2, %add3A_146, %dma_wait3A_529] : memref<24x2048x1024xf32, #tpu.memory_space<hbm>> -> memref<1x32x1024xf32, #tpu.memory_space<hbm>>
    %dma_wait3A_531 = tpu.memref_squeeze %dma_wait3A_530 : memref<1x32x1024xf32, #tpu.memory_space<hbm>> -> memref<32x1024xf32, #tpu.memory_space<hbm>>
    tpu.wait_dma2 semaphore(%arg24 : memref<!tpu.dma_semaphore, #tpu.memory_space<semaphore_mem>>) src(%dma_wait3A_531 : memref<32x1024xf32, #tpu.memory_space<hbm>>) dst(%dma_wait3A_528 : memref<32x1024xf32, #tpu.memory_space<vmem_shared>>)
    %add3A_532 = arith.constant 576 : i32
    %add3A_533 = arith.addi %mul3A_0, %add3A_532 : i32
    %dma_start3A_534 = arith.constant 0 : i32
    %dma_start3A_535 = arith.constant 0 : i32
    %dma_start3A_536 = tpu.memref_slice %arg3[%dma_start3A_534, %add3A_533, %dma_start3A_535] : memref<1x2048x1024xf32, #tpu.memory_space<hbm>> -> memref<1x32x1024xf32, #tpu.memory_space<hbm>>
    %dma_start3A_537 = tpu.memref_squeeze %dma_start3A_536 : memref<1x32x1024xf32, #tpu.memory_space<hbm>> -> memref<32x1024xf32, #tpu.memory_space<hbm>>
    %dma_start3A_538 = arith.constant 576 : i32
    %dma_start3A_539 = arith.constant 0 : i32
    %dma_start3A_540 = tpu.memref_slice %arg5[%dma_start3A_538, %dma_start3A_539] : memref<1024x1024xf32, #tpu.memory_space<vmem_shared>> -> memref<32x1024xf32, #tpu.memory_space<vmem_shared>>
    tpu.enqueue_dma source(%dma_start3A_540 : memref<32x1024xf32, #tpu.memory_space<vmem_shared>>) target(%dma_start3A_537 : memref<32x1024xf32, #tpu.memory_space<hbm>>) target_semaphore(%arg38 : memref<!tpu.dma_semaphore, #tpu.memory_space<semaphore_mem>>)
    %dma_wait3A_541 = arith.constant 608 : i32
    %dma_wait3A_542 = arith.constant 0 : i32
    %dma_wait3A_543 = tpu.memref_slice %arg5[%dma_wait3A_541, %dma_wait3A_542] : memref<1024x1024xf32, #tpu.memory_space<vmem_shared>> -> memref<32x1024xf32, #tpu.memory_space<vmem_shared>>
    %dma_wait3A_544 = arith.constant 0 : i32
    %dma_wait3A_545 = tpu.memref_slice %arg1[%get3A_2, %add3A_154, %dma_wait3A_544] : memref<24x2048x1024xf32, #tpu.memory_space<hbm>> -> memref<1x32x1024xf32, #tpu.memory_space<hbm>>
    %dma_wait3A_546 = tpu.memref_squeeze %dma_wait3A_545 : memref<1x32x1024xf32, #tpu.memory_space<hbm>> -> memref<32x1024xf32, #tpu.memory_space<hbm>>
    tpu.wait_dma2 semaphore(%arg25 : memref<!tpu.dma_semaphore, #tpu.memory_space<semaphore_mem>>) src(%dma_wait3A_546 : memref<32x1024xf32, #tpu.memory_space<hbm>>) dst(%dma_wait3A_543 : memref<32x1024xf32, #tpu.memory_space<vmem_shared>>)
    %add3A_547 = arith.constant 608 : i32
    %add3A_548 = arith.addi %mul3A_0, %add3A_547 : i32
    %dma_start3A_549 = arith.constant 0 : i32
    %dma_start3A_550 = arith.constant 0 : i32
    %dma_start3A_551 = tpu.memref_slice %arg3[%dma_start3A_549, %add3A_548, %dma_start3A_550] : memref<1x2048x1024xf32, #tpu.memory_space<hbm>> -> memref<1x32x1024xf32, #tpu.memory_space<hbm>>
    %dma_start3A_552 = tpu.memref_squeeze %dma_start3A_551 : memref<1x32x1024xf32, #tpu.memory_space<hbm>> -> memref<32x1024xf32, #tpu.memory_space<hbm>>
    %dma_start3A_553 = arith.constant 608 : i32
    %dma_start3A_554 = arith.constant 0 : i32
    %dma_start3A_555 = tpu.memref_slice %arg5[%dma_start3A_553, %dma_start3A_554] : memref<1024x1024xf32, #tpu.memory_space<vmem_shared>> -> memref<32x1024xf32, #tpu.memory_space<vmem_shared>>
    tpu.enqueue_dma source(%dma_start3A_555 : memref<32x1024xf32, #tpu.memory_space<vmem_shared>>) target(%dma_start3A_552 : memref<32x1024xf32, #tpu.memory_space<hbm>>) target_semaphore(%arg38 : memref<!tpu.dma_semaphore, #tpu.memory_space<semaphore_mem>>)
    %dma_wait3A_556 = arith.constant 640 : i32
    %dma_wait3A_557 = arith.constant 0 : i32
    %dma_wait3A_558 = tpu.memref_slice %arg5[%dma_wait3A_556, %dma_wait3A_557] : memref<1024x1024xf32, #tpu.memory_space<vmem_shared>> -> memref<32x1024xf32, #tpu.memory_space<vmem_shared>>
    %dma_wait3A_559 = arith.constant 0 : i32
    %dma_wait3A_560 = tpu.memref_slice %arg1[%get3A_2, %add3A_162, %dma_wait3A_559] : memref<24x2048x1024xf32, #tpu.memory_space<hbm>> -> memref<1x32x1024xf32, #tpu.memory_space<hbm>>
    %dma_wait3A_561 = tpu.memref_squeeze %dma_wait3A_560 : memref<1x32x1024xf32, #tpu.memory_space<hbm>> -> memref<32x1024xf32, #tpu.memory_space<hbm>>
    tpu.wait_dma2 semaphore(%arg26 : memref<!tpu.dma_semaphore, #tpu.memory_space<semaphore_mem>>) src(%dma_wait3A_561 : memref<32x1024xf32, #tpu.memory_space<hbm>>) dst(%dma_wait3A_558 : memref<32x1024xf32, #tpu.memory_space<vmem_shared>>)
    %add3A_562 = arith.constant 640 : i32
    %add3A_563 = arith.addi %mul3A_0, %add3A_562 : i32
    %dma_start3A_564 = arith.constant 0 : i32
    %dma_start3A_565 = arith.constant 0 : i32
    %dma_start3A_566 = tpu.memref_slice %arg3[%dma_start3A_564, %add3A_563, %dma_start3A_565] : memref<1x2048x1024xf32, #tpu.memory_space<hbm>> -> memref<1x32x1024xf32, #tpu.memory_space<hbm>>
    %dma_start3A_567 = tpu.memref_squeeze %dma_start3A_566 : memref<1x32x1024xf32, #tpu.memory_space<hbm>> -> memref<32x1024xf32, #tpu.memory_space<hbm>>
    %dma_start3A_568 = arith.constant 640 : i32
    %dma_start3A_569 = arith.constant 0 : i32
    %dma_start3A_570 = tpu.memref_slice %arg5[%dma_start3A_568, %dma_start3A_569] : memref<1024x1024xf32, #tpu.memory_space<vmem_shared>> -> memref<32x1024xf32, #tpu.memory_space<vmem_shared>>
    tpu.enqueue_dma source(%dma_start3A_570 : memref<32x1024xf32, #tpu.memory_space<vmem_shared>>) target(%dma_start3A_567 : memref<32x1024xf32, #tpu.memory_space<hbm>>) target_semaphore(%arg38 : memref<!tpu.dma_semaphore, #tpu.memory_space<semaphore_mem>>)
    %dma_wait3A_571 = arith.constant 672 : i32
    %dma_wait3A_572 = arith.constant 0 : i32
    %dma_wait3A_573 = tpu.memref_slice %arg5[%dma_wait3A_571, %dma_wait3A_572] : memref<1024x1024xf32, #tpu.memory_space<vmem_shared>> -> memref<32x1024xf32, #tpu.memory_space<vmem_shared>>
    %dma_wait3A_574 = arith.constant 0 : i32
    %dma_wait3A_575 = tpu.memref_slice %arg1[%get3A_2, %add3A_170, %dma_wait3A_574] : memref<24x2048x1024xf32, #tpu.memory_space<hbm>> -> memref<1x32x1024xf32, #tpu.memory_space<hbm>>
    %dma_wait3A_576 = tpu.memref_squeeze %dma_wait3A_575 : memref<1x32x1024xf32, #tpu.memory_space<hbm>> -> memref<32x1024xf32, #tpu.memory_space<hbm>>
    tpu.wait_dma2 semaphore(%arg27 : memref<!tpu.dma_semaphore, #tpu.memory_space<semaphore_mem>>) src(%dma_wait3A_576 : memref<32x1024xf32, #tpu.memory_space<hbm>>) dst(%dma_wait3A_573 : memref<32x1024xf32, #tpu.memory_space<vmem_shared>>)
    %add3A_577 = arith.constant 672 : i32
    %add3A_578 = arith.addi %mul3A_0, %add3A_577 : i32
    %dma_start3A_579 = arith.constant 0 : i32
    %dma_start3A_580 = arith.constant 0 : i32
    %dma_start3A_581 = tpu.memref_slice %arg3[%dma_start3A_579, %add3A_578, %dma_start3A_580] : memref<1x2048x1024xf32, #tpu.memory_space<hbm>> -> memref<1x32x1024xf32, #tpu.memory_space<hbm>>
    %dma_start3A_582 = tpu.memref_squeeze %dma_start3A_581 : memref<1x32x1024xf32, #tpu.memory_space<hbm>> -> memref<32x1024xf32, #tpu.memory_space<hbm>>
    %dma_start3A_583 = arith.constant 672 : i32
    %dma_start3A_584 = arith.constant 0 : i32
    %dma_start3A_585 = tpu.memref_slice %arg5[%dma_start3A_583, %dma_start3A_584] : memref<1024x1024xf32, #tpu.memory_space<vmem_shared>> -> memref<32x1024xf32, #tpu.memory_space<vmem_shared>>
    tpu.enqueue_dma source(%dma_start3A_585 : memref<32x1024xf32, #tpu.memory_space<vmem_shared>>) target(%dma_start3A_582 : memref<32x1024xf32, #tpu.memory_space<hbm>>) target_semaphore(%arg38 : memref<!tpu.dma_semaphore, #tpu.memory_space<semaphore_mem>>)
    %dma_wait3A_586 = arith.constant 704 : i32
    %dma_wait3A_587 = arith.constant 0 : i32
    %dma_wait3A_588 = tpu.memref_slice %arg5[%dma_wait3A_586, %dma_wait3A_587] : memref<1024x1024xf32, #tpu.memory_space<vmem_shared>> -> memref<32x1024xf32, #tpu.memory_space<vmem_shared>>
    %dma_wait3A_589 = arith.constant 0 : i32
    %dma_wait3A_590 = tpu.memref_slice %arg1[%get3A_2, %add3A_178, %dma_wait3A_589] : memref<24x2048x1024xf32, #tpu.memory_space<hbm>> -> memref<1x32x1024xf32, #tpu.memory_space<hbm>>
    %dma_wait3A_591 = tpu.memref_squeeze %dma_wait3A_590 : memref<1x32x1024xf32, #tpu.memory_space<hbm>> -> memref<32x1024xf32, #tpu.memory_space<hbm>>
    tpu.wait_dma2 semaphore(%arg28 : memref<!tpu.dma_semaphore, #tpu.memory_space<semaphore_mem>>) src(%dma_wait3A_591 : memref<32x1024xf32, #tpu.memory_space<hbm>>) dst(%dma_wait3A_588 : memref<32x1024xf32, #tpu.memory_space<vmem_shared>>)
    %add3A_592 = arith.constant 704 : i32
    %add3A_593 = arith.addi %mul3A_0, %add3A_592 : i32
    %dma_start3A_594 = arith.constant 0 : i32
    %dma_start3A_595 = arith.constant 0 : i32
    %dma_start3A_596 = tpu.memref_slice %arg3[%dma_start3A_594, %add3A_593, %dma_start3A_595] : memref<1x2048x1024xf32, #tpu.memory_space<hbm>> -> memref<1x32x1024xf32, #tpu.memory_space<hbm>>
    %dma_start3A_597 = tpu.memref_squeeze %dma_start3A_596 : memref<1x32x1024xf32, #tpu.memory_space<hbm>> -> memref<32x1024xf32, #tpu.memory_space<hbm>>
    %dma_start3A_598 = arith.constant 704 : i32
    %dma_start3A_599 = arith.constant 0 : i32
    %dma_start3A_600 = tpu.memref_slice %arg5[%dma_start3A_598, %dma_start3A_599] : memref<1024x1024xf32, #tpu.memory_space<vmem_shared>> -> memref<32x1024xf32, #tpu.memory_space<vmem_shared>>
    tpu.enqueue_dma source(%dma_start3A_600 : memref<32x1024xf32, #tpu.memory_space<vmem_shared>>) target(%dma_start3A_597 : memref<32x1024xf32, #tpu.memory_space<hbm>>) target_semaphore(%arg38 : memref<!tpu.dma_semaphore, #tpu.memory_space<semaphore_mem>>)
    %dma_wait3A_601 = arith.constant 736 : i32
    %dma_wait3A_602 = arith.constant 0 : i32
    %dma_wait3A_603 = tpu.memref_slice %arg5[%dma_wait3A_601, %dma_wait3A_602] : memref<1024x1024xf32, #tpu.memory_space<vmem_shared>> -> memref<32x1024xf32, #tpu.memory_space<vmem_shared>>
    %dma_wait3A_604 = arith.constant 0 : i32
    %dma_wait3A_605 = tpu.memref_slice %arg1[%get3A_2, %add3A_186, %dma_wait3A_604] : memref<24x2048x1024xf32, #tpu.memory_space<hbm>> -> memref<1x32x1024xf32, #tpu.memory_space<hbm>>
    %dma_wait3A_606 = tpu.memref_squeeze %dma_wait3A_605 : memref<1x32x1024xf32, #tpu.memory_space<hbm>> -> memref<32x1024xf32, #tpu.memory_space<hbm>>
    tpu.wait_dma2 semaphore(%arg29 : memref<!tpu.dma_semaphore, #tpu.memory_space<semaphore_mem>>) src(%dma_wait3A_606 : memref<32x1024xf32, #tpu.memory_space<hbm>>) dst(%dma_wait3A_603 : memref<32x1024xf32, #tpu.memory_space<vmem_shared>>)
    %add3A_607 = arith.constant 736 : i32
    %add3A_608 = arith.addi %mul3A_0, %add3A_607 : i32
    %dma_start3A_609 = arith.constant 0 : i32
    %dma_start3A_610 = arith.constant 0 : i32
    %dma_start3A_611 = tpu.memref_slice %arg3[%dma_start3A_609, %add3A_608, %dma_start3A_610] : memref<1x2048x1024xf32, #tpu.memory_space<hbm>> -> memref<1x32x1024xf32, #tpu.memory_space<hbm>>
    %dma_start3A_612 = tpu.memref_squeeze %dma_start3A_611 : memref<1x32x1024xf32, #tpu.memory_space<hbm>> -> memref<32x1024xf32, #tpu.memory_space<hbm>>
    %dma_start3A_613 = arith.constant 736 : i32
    %dma_start3A_614 = arith.constant 0 : i32
    %dma_start3A_615 = tpu.memref_slice %arg5[%dma_start3A_613, %dma_start3A_614] : memref<1024x1024xf32, #tpu.memory_space<vmem_shared>> -> memref<32x1024xf32, #tpu.memory_space<vmem_shared>>
    tpu.enqueue_dma source(%dma_start3A_615 : memref<32x1024xf32, #tpu.memory_space<vmem_shared>>) target(%dma_start3A_612 : memref<32x1024xf32, #tpu.memory_space<hbm>>) target_semaphore(%arg38 : memref<!tpu.dma_semaphore, #tpu.memory_space<semaphore_mem>>)
    %dma_wait3A_616 = arith.constant 768 : i32
    %dma_wait3A_617 = arith.constant 0 : i32
    %dma_wait3A_618 = tpu.memref_slice %arg5[%dma_wait3A_616, %dma_wait3A_617] : memref<1024x1024xf32, #tpu.memory_space<vmem_shared>> -> memref<32x1024xf32, #tpu.memory_space<vmem_shared>>
    %dma_wait3A_619 = arith.constant 0 : i32
    %dma_wait3A_620 = tpu.memref_slice %arg1[%get3A_2, %add3A_194, %dma_wait3A_619] : memref<24x2048x1024xf32, #tpu.memory_space<hbm>> -> memref<1x32x1024xf32, #tpu.memory_space<hbm>>
    %dma_wait3A_621 = tpu.memref_squeeze %dma_wait3A_620 : memref<1x32x1024xf32, #tpu.memory_space<hbm>> -> memref<32x1024xf32, #tpu.memory_space<hbm>>
    tpu.wait_dma2 semaphore(%arg30 : memref<!tpu.dma_semaphore, #tpu.memory_space<semaphore_mem>>) src(%dma_wait3A_621 : memref<32x1024xf32, #tpu.memory_space<hbm>>) dst(%dma_wait3A_618 : memref<32x1024xf32, #tpu.memory_space<vmem_shared>>)
    %add3A_622 = arith.constant 768 : i32
    %add3A_623 = arith.addi %mul3A_0, %add3A_622 : i32
    %dma_start3A_624 = arith.constant 0 : i32
    %dma_start3A_625 = arith.constant 0 : i32
    %dma_start3A_626 = tpu.memref_slice %arg3[%dma_start3A_624, %add3A_623, %dma_start3A_625] : memref<1x2048x1024xf32, #tpu.memory_space<hbm>> -> memref<1x32x1024xf32, #tpu.memory_space<hbm>>
    %dma_start3A_627 = tpu.memref_squeeze %dma_start3A_626 : memref<1x32x1024xf32, #tpu.memory_space<hbm>> -> memref<32x1024xf32, #tpu.memory_space<hbm>>
    %dma_start3A_628 = arith.constant 768 : i32
    %dma_start3A_629 = arith.constant 0 : i32
    %dma_start3A_630 = tpu.memref_slice %arg5[%dma_start3A_628, %dma_start3A_629] : memref<1024x1024xf32, #tpu.memory_space<vmem_shared>> -> memref<32x1024xf32, #tpu.memory_space<vmem_shared>>
    tpu.enqueue_dma source(%dma_start3A_630 : memref<32x1024xf32, #tpu.memory_space<vmem_shared>>) target(%dma_start3A_627 : memref<32x1024xf32, #tpu.memory_space<hbm>>) target_semaphore(%arg38 : memref<!tpu.dma_semaphore, #tpu.memory_space<semaphore_mem>>)
    %dma_wait3A_631 = arith.constant 800 : i32
    %dma_wait3A_632 = arith.constant 0 : i32
    %dma_wait3A_633 = tpu.memref_slice %arg5[%dma_wait3A_631, %dma_wait3A_632] : memref<1024x1024xf32, #tpu.memory_space<vmem_shared>> -> memref<32x1024xf32, #tpu.memory_space<vmem_shared>>
    %dma_wait3A_634 = arith.constant 0 : i32
    %dma_wait3A_635 = tpu.memref_slice %arg1[%get3A_2, %add3A_202, %dma_wait3A_634] : memref<24x2048x1024xf32, #tpu.memory_space<hbm>> -> memref<1x32x1024xf32, #tpu.memory_space<hbm>>
    %dma_wait3A_636 = tpu.memref_squeeze %dma_wait3A_635 : memref<1x32x1024xf32, #tpu.memory_space<hbm>> -> memref<32x1024xf32, #tpu.memory_space<hbm>>
    tpu.wait_dma2 semaphore(%arg31 : memref<!tpu.dma_semaphore, #tpu.memory_space<semaphore_mem>>) src(%dma_wait3A_636 : memref<32x1024xf32, #tpu.memory_space<hbm>>) dst(%dma_wait3A_633 : memref<32x1024xf32, #tpu.memory_space<vmem_shared>>)
    %add3A_637 = arith.constant 800 : i32
    %add3A_638 = arith.addi %mul3A_0, %add3A_637 : i32
    %dma_start3A_639 = arith.constant 0 : i32
    %dma_start3A_640 = arith.constant 0 : i32
    %dma_start3A_641 = tpu.memref_slice %arg3[%dma_start3A_639, %add3A_638, %dma_start3A_640] : memref<1x2048x1024xf32, #tpu.memory_space<hbm>> -> memref<1x32x1024xf32, #tpu.memory_space<hbm>>
    %dma_start3A_642 = tpu.memref_squeeze %dma_start3A_641 : memref<1x32x1024xf32, #tpu.memory_space<hbm>> -> memref<32x1024xf32, #tpu.memory_space<hbm>>
    %dma_start3A_643 = arith.constant 800 : i32
    %dma_start3A_644 = arith.constant 0 : i32
    %dma_start3A_645 = tpu.memref_slice %arg5[%dma_start3A_643, %dma_start3A_644] : memref<1024x1024xf32, #tpu.memory_space<vmem_shared>> -> memref<32x1024xf32, #tpu.memory_space<vmem_shared>>
    tpu.enqueue_dma source(%dma_start3A_645 : memref<32x1024xf32, #tpu.memory_space<vmem_shared>>) target(%dma_start3A_642 : memref<32x1024xf32, #tpu.memory_space<hbm>>) target_semaphore(%arg38 : memref<!tpu.dma_semaphore, #tpu.memory_space<semaphore_mem>>)
    %dma_wait3A_646 = arith.constant 832 : i32
    %dma_wait3A_647 = arith.constant 0 : i32
    %dma_wait3A_648 = tpu.memref_slice %arg5[%dma_wait3A_646, %dma_wait3A_647] : memref<1024x1024xf32, #tpu.memory_space<vmem_shared>> -> memref<32x1024xf32, #tpu.memory_space<vmem_shared>>
    %dma_wait3A_649 = arith.constant 0 : i32
    %dma_wait3A_650 = tpu.memref_slice %arg1[%get3A_2, %add3A_210, %dma_wait3A_649] : memref<24x2048x1024xf32, #tpu.memory_space<hbm>> -> memref<1x32x1024xf32, #tpu.memory_space<hbm>>
    %dma_wait3A_651 = tpu.memref_squeeze %dma_wait3A_650 : memref<1x32x1024xf32, #tpu.memory_space<hbm>> -> memref<32x1024xf32, #tpu.memory_space<hbm>>
    tpu.wait_dma2 semaphore(%arg32 : memref<!tpu.dma_semaphore, #tpu.memory_space<semaphore_mem>>) src(%dma_wait3A_651 : memref<32x1024xf32, #tpu.memory_space<hbm>>) dst(%dma_wait3A_648 : memref<32x1024xf32, #tpu.memory_space<vmem_shared>>)
    %add3A_652 = arith.constant 832 : i32
    %add3A_653 = arith.addi %mul3A_0, %add3A_652 : i32
    %dma_start3A_654 = arith.constant 0 : i32
    %dma_start3A_655 = arith.constant 0 : i32
    %dma_start3A_656 = tpu.memref_slice %arg3[%dma_start3A_654, %add3A_653, %dma_start3A_655] : memref<1x2048x1024xf32, #tpu.memory_space<hbm>> -> memref<1x32x1024xf32, #tpu.memory_space<hbm>>
    %dma_start3A_657 = tpu.memref_squeeze %dma_start3A_656 : memref<1x32x1024xf32, #tpu.memory_space<hbm>> -> memref<32x1024xf32, #tpu.memory_space<hbm>>
    %dma_start3A_658 = arith.constant 832 : i32
    %dma_start3A_659 = arith.constant 0 : i32
    %dma_start3A_660 = tpu.memref_slice %arg5[%dma_start3A_658, %dma_start3A_659] : memref<1024x1024xf32, #tpu.memory_space<vmem_shared>> -> memref<32x1024xf32, #tpu.memory_space<vmem_shared>>
    tpu.enqueue_dma source(%dma_start3A_660 : memref<32x1024xf32, #tpu.memory_space<vmem_shared>>) target(%dma_start3A_657 : memref<32x1024xf32, #tpu.memory_space<hbm>>) target_semaphore(%arg38 : memref<!tpu.dma_semaphore, #tpu.memory_space<semaphore_mem>>)
    %dma_wait3A_661 = arith.constant 864 : i32
    %dma_wait3A_662 = arith.constant 0 : i32
    %dma_wait3A_663 = tpu.memref_slice %arg5[%dma_wait3A_661, %dma_wait3A_662] : memref<1024x1024xf32, #tpu.memory_space<vmem_shared>> -> memref<32x1024xf32, #tpu.memory_space<vmem_shared>>
    %dma_wait3A_664 = arith.constant 0 : i32
    %dma_wait3A_665 = tpu.memref_slice %arg1[%get3A_2, %add3A_218, %dma_wait3A_664] : memref<24x2048x1024xf32, #tpu.memory_space<hbm>> -> memref<1x32x1024xf32, #tpu.memory_space<hbm>>
    %dma_wait3A_666 = tpu.memref_squeeze %dma_wait3A_665 : memref<1x32x1024xf32, #tpu.memory_space<hbm>> -> memref<32x1024xf32, #tpu.memory_space<hbm>>
    tpu.wait_dma2 semaphore(%arg33 : memref<!tpu.dma_semaphore, #tpu.memory_space<semaphore_mem>>) src(%dma_wait3A_666 : memref<32x1024xf32, #tpu.memory_space<hbm>>) dst(%dma_wait3A_663 : memref<32x1024xf32, #tpu.memory_space<vmem_shared>>)
    %add3A_667 = arith.constant 864 : i32
    %add3A_668 = arith.addi %mul3A_0, %add3A_667 : i32
    %dma_start3A_669 = arith.constant 0 : i32
    %dma_start3A_670 = arith.constant 0 : i32
    %dma_start3A_671 = tpu.memref_slice %arg3[%dma_start3A_669, %add3A_668, %dma_start3A_670] : memref<1x2048x1024xf32, #tpu.memory_space<hbm>> -> memref<1x32x1024xf32, #tpu.memory_space<hbm>>
    %dma_start3A_672 = tpu.memref_squeeze %dma_start3A_671 : memref<1x32x1024xf32, #tpu.memory_space<hbm>> -> memref<32x1024xf32, #tpu.memory_space<hbm>>
    %dma_start3A_673 = arith.constant 864 : i32
    %dma_start3A_674 = arith.constant 0 : i32
    %dma_start3A_675 = tpu.memref_slice %arg5[%dma_start3A_673, %dma_start3A_674] : memref<1024x1024xf32, #tpu.memory_space<vmem_shared>> -> memref<32x1024xf32, #tpu.memory_space<vmem_shared>>
    tpu.enqueue_dma source(%dma_start3A_675 : memref<32x1024xf32, #tpu.memory_space<vmem_shared>>) target(%dma_start3A_672 : memref<32x1024xf32, #tpu.memory_space<hbm>>) target_semaphore(%arg38 : memref<!tpu.dma_semaphore, #tpu.memory_space<semaphore_mem>>)
    %dma_wait3A_676 = arith.constant 896 : i32
    %dma_wait3A_677 = arith.constant 0 : i32
    %dma_wait3A_678 = tpu.memref_slice %arg5[%dma_wait3A_676, %dma_wait3A_677] : memref<1024x1024xf32, #tpu.memory_space<vmem_shared>> -> memref<32x1024xf32, #tpu.memory_space<vmem_shared>>
    %dma_wait3A_679 = arith.constant 0 : i32
    %dma_wait3A_680 = tpu.memref_slice %arg1[%get3A_2, %add3A_226, %dma_wait3A_679] : memref<24x2048x1024xf32, #tpu.memory_space<hbm>> -> memref<1x32x1024xf32, #tpu.memory_space<hbm>>
    %dma_wait3A_681 = tpu.memref_squeeze %dma_wait3A_680 : memref<1x32x1024xf32, #tpu.memory_space<hbm>> -> memref<32x1024xf32, #tpu.memory_space<hbm>>
    tpu.wait_dma2 semaphore(%arg34 : memref<!tpu.dma_semaphore, #tpu.memory_space<semaphore_mem>>) src(%dma_wait3A_681 : memref<32x1024xf32, #tpu.memory_space<hbm>>) dst(%dma_wait3A_678 : memref<32x1024xf32, #tpu.memory_space<vmem_shared>>)
    %add3A_682 = arith.constant 896 : i32
    %add3A_683 = arith.addi %mul3A_0, %add3A_682 : i32
    %dma_start3A_684 = arith.constant 0 : i32
    %dma_start3A_685 = arith.constant 0 : i32
    %dma_start3A_686 = tpu.memref_slice %arg3[%dma_start3A_684, %add3A_683, %dma_start3A_685] : memref<1x2048x1024xf32, #tpu.memory_space<hbm>> -> memref<1x32x1024xf32, #tpu.memory_space<hbm>>
    %dma_start3A_687 = tpu.memref_squeeze %dma_start3A_686 : memref<1x32x1024xf32, #tpu.memory_space<hbm>> -> memref<32x1024xf32, #tpu.memory_space<hbm>>
    %dma_start3A_688 = arith.constant 896 : i32
    %dma_start3A_689 = arith.constant 0 : i32
    %dma_start3A_690 = tpu.memref_slice %arg5[%dma_start3A_688, %dma_start3A_689] : memref<1024x1024xf32, #tpu.memory_space<vmem_shared>> -> memref<32x1024xf32, #tpu.memory_space<vmem_shared>>
    tpu.enqueue_dma source(%dma_start3A_690 : memref<32x1024xf32, #tpu.memory_space<vmem_shared>>) target(%dma_start3A_687 : memref<32x1024xf32, #tpu.memory_space<hbm>>) target_semaphore(%arg38 : memref<!tpu.dma_semaphore, #tpu.memory_space<semaphore_mem>>)
    %dma_wait3A_691 = arith.constant 928 : i32
    %dma_wait3A_692 = arith.constant 0 : i32
    %dma_wait3A_693 = tpu.memref_slice %arg5[%dma_wait3A_691, %dma_wait3A_692] : memref<1024x1024xf32, #tpu.memory_space<vmem_shared>> -> memref<32x1024xf32, #tpu.memory_space<vmem_shared>>
    %dma_wait3A_694 = arith.constant 0 : i32
    %dma_wait3A_695 = tpu.memref_slice %arg1[%get3A_2, %add3A_234, %dma_wait3A_694] : memref<24x2048x1024xf32, #tpu.memory_space<hbm>> -> memref<1x32x1024xf32, #tpu.memory_space<hbm>>
    %dma_wait3A_696 = tpu.memref_squeeze %dma_wait3A_695 : memref<1x32x1024xf32, #tpu.memory_space<hbm>> -> memref<32x1024xf32, #tpu.memory_space<hbm>>
    tpu.wait_dma2 semaphore(%arg35 : memref<!tpu.dma_semaphore, #tpu.memory_space<semaphore_mem>>) src(%dma_wait3A_696 : memref<32x1024xf32, #tpu.memory_space<hbm>>) dst(%dma_wait3A_693 : memref<32x1024xf32, #tpu.memory_space<vmem_shared>>)
    %add3A_697 = arith.constant 928 : i32
    %add3A_698 = arith.addi %mul3A_0, %add3A_697 : i32
    %dma_start3A_699 = arith.constant 0 : i32
    %dma_start3A_700 = arith.constant 0 : i32
    %dma_start3A_701 = tpu.memref_slice %arg3[%dma_start3A_699, %add3A_698, %dma_start3A_700] : memref<1x2048x1024xf32, #tpu.memory_space<hbm>> -> memref<1x32x1024xf32, #tpu.memory_space<hbm>>
    %dma_start3A_702 = tpu.memref_squeeze %dma_start3A_701 : memref<1x32x1024xf32, #tpu.memory_space<hbm>> -> memref<32x1024xf32, #tpu.memory_space<hbm>>
    %dma_start3A_703 = arith.constant 928 : i32
    %dma_start3A_704 = arith.constant 0 : i32
    %dma_start3A_705 = tpu.memref_slice %arg5[%dma_start3A_703, %dma_start3A_704] : memref<1024x1024xf32, #tpu.memory_space<vmem_shared>> -> memref<32x1024xf32, #tpu.memory_space<vmem_shared>>
    tpu.enqueue_dma source(%dma_start3A_705 : memref<32x1024xf32, #tpu.memory_space<vmem_shared>>) target(%dma_start3A_702 : memref<32x1024xf32, #tpu.memory_space<hbm>>) target_semaphore(%arg38 : memref<!tpu.dma_semaphore, #tpu.memory_space<semaphore_mem>>)
    %dma_wait3A_706 = arith.constant 960 : i32
    %dma_wait3A_707 = arith.constant 0 : i32
    %dma_wait3A_708 = tpu.memref_slice %arg5[%dma_wait3A_706, %dma_wait3A_707] : memref<1024x1024xf32, #tpu.memory_space<vmem_shared>> -> memref<32x1024xf32, #tpu.memory_space<vmem_shared>>
    %dma_wait3A_709 = arith.constant 0 : i32
    %dma_wait3A_710 = tpu.memref_slice %arg1[%get3A_2, %add3A_242, %dma_wait3A_709] : memref<24x2048x1024xf32, #tpu.memory_space<hbm>> -> memref<1x32x1024xf32, #tpu.memory_space<hbm>>
    %dma_wait3A_711 = tpu.memref_squeeze %dma_wait3A_710 : memref<1x32x1024xf32, #tpu.memory_space<hbm>> -> memref<32x1024xf32, #tpu.memory_space<hbm>>
    tpu.wait_dma2 semaphore(%arg36 : memref<!tpu.dma_semaphore, #tpu.memory_space<semaphore_mem>>) src(%dma_wait3A_711 : memref<32x1024xf32, #tpu.memory_space<hbm>>) dst(%dma_wait3A_708 : memref<32x1024xf32, #tpu.memory_space<vmem_shared>>)
    %add3A_712 = arith.constant 960 : i32
    %add3A_713 = arith.addi %mul3A_0, %add3A_712 : i32
    %dma_start3A_714 = arith.constant 0 : i32
    %dma_start3A_715 = arith.constant 0 : i32
    %dma_start3A_716 = tpu.memref_slice %arg3[%dma_start3A_714, %add3A_713, %dma_start3A_715] : memref<1x2048x1024xf32, #tpu.memory_space<hbm>> -> memref<1x32x1024xf32, #tpu.memory_space<hbm>>
    %dma_start3A_717 = tpu.memref_squeeze %dma_start3A_716 : memref<1x32x1024xf32, #tpu.memory_space<hbm>> -> memref<32x1024xf32, #tpu.memory_space<hbm>>
    %dma_start3A_718 = arith.constant 960 : i32
    %dma_start3A_719 = arith.constant 0 : i32
    %dma_start3A_720 = tpu.memref_slice %arg5[%dma_start3A_718, %dma_start3A_719] : memref<1024x1024xf32, #tpu.memory_space<vmem_shared>> -> memref<32x1024xf32, #tpu.memory_space<vmem_shared>>
    tpu.enqueue_dma source(%dma_start3A_720 : memref<32x1024xf32, #tpu.memory_space<vmem_shared>>) target(%dma_start3A_717 : memref<32x1024xf32, #tpu.memory_space<hbm>>) target_semaphore(%arg38 : memref<!tpu.dma_semaphore, #tpu.memory_space<semaphore_mem>>)
    %dma_wait3A_721 = arith.constant 992 : i32
    %dma_wait3A_722 = arith.constant 0 : i32
    %dma_wait3A_723 = tpu.memref_slice %arg5[%dma_wait3A_721, %dma_wait3A_722] : memref<1024x1024xf32, #tpu.memory_space<vmem_shared>> -> memref<32x1024xf32, #tpu.memory_space<vmem_shared>>
    %dma_wait3A_724 = arith.constant 0 : i32
    %dma_wait3A_725 = tpu.memref_slice %arg1[%get3A_2, %add3A_250, %dma_wait3A_724] : memref<24x2048x1024xf32, #tpu.memory_space<hbm>> -> memref<1x32x1024xf32, #tpu.memory_space<hbm>>
    %dma_wait3A_726 = tpu.memref_squeeze %dma_wait3A_725 : memref<1x32x1024xf32, #tpu.memory_space<hbm>> -> memref<32x1024xf32, #tpu.memory_space<hbm>>
    tpu.wait_dma2 semaphore(%arg37 : memref<!tpu.dma_semaphore, #tpu.memory_space<semaphore_mem>>) src(%dma_wait3A_726 : memref<32x1024xf32, #tpu.memory_space<hbm>>) dst(%dma_wait3A_723 : memref<32x1024xf32, #tpu.memory_space<vmem_shared>>)
    %add3A_727 = arith.constant 992 : i32
    %add3A_728 = arith.addi %mul3A_0, %add3A_727 : i32
    %dma_start3A_729 = arith.constant 0 : i32
    %dma_start3A_730 = arith.constant 0 : i32
    %dma_start3A_731 = tpu.memref_slice %arg3[%dma_start3A_729, %add3A_728, %dma_start3A_730] : memref<1x2048x1024xf32, #tpu.memory_space<hbm>> -> memref<1x32x1024xf32, #tpu.memory_space<hbm>>
    %dma_start3A_732 = tpu.memref_squeeze %dma_start3A_731 : memref<1x32x1024xf32, #tpu.memory_space<hbm>> -> memref<32x1024xf32, #tpu.memory_space<hbm>>
    %dma_start3A_733 = arith.constant 992 : i32
    %dma_start3A_734 = arith.constant 0 : i32
    %dma_start3A_735 = tpu.memref_slice %arg5[%dma_start3A_733, %dma_start3A_734] : memref<1024x1024xf32, #tpu.memory_space<vmem_shared>> -> memref<32x1024xf32, #tpu.memory_space<vmem_shared>>
    tpu.enqueue_dma source(%dma_start3A_735 : memref<32x1024xf32, #tpu.memory_space<vmem_shared>>) target(%dma_start3A_732 : memref<32x1024xf32, #tpu.memory_space<hbm>>) target_semaphore(%arg38 : memref<!tpu.dma_semaphore, #tpu.memory_space<semaphore_mem>>)
    %dma_wait3A_736 = arith.constant 0 : i32
    %dma_wait3A_737 = arith.constant 0 : i32
    %dma_wait3A_738 = tpu.memref_slice %arg3[%dma_wait3A_736, %add3A_263, %dma_wait3A_737] : memref<1x2048x1024xf32, #tpu.memory_space<hbm>> -> memref<1x32x1024xf32, #tpu.memory_space<hbm>>
    %dma_wait3A_739 = tpu.memref_squeeze %dma_wait3A_738 : memref<1x32x1024xf32, #tpu.memory_space<hbm>> -> memref<32x1024xf32, #tpu.memory_space<hbm>>
    %dma_wait3A_740 = arith.constant 0 : i32
    %dma_wait3A_741 = arith.constant 0 : i32
    %dma_wait3A_742 = tpu.memref_slice %arg5[%dma_wait3A_740, %dma_wait3A_741] : memref<1024x1024xf32, #tpu.memory_space<vmem_shared>> -> memref<32x1024xf32, #tpu.memory_space<vmem_shared>>
    tpu.wait_dma2 semaphore(%arg38 : memref<!tpu.dma_semaphore, #tpu.memory_space<semaphore_mem>>) src(%dma_wait3A_742 : memref<32x1024xf32, #tpu.memory_space<vmem_shared>>) dst(%dma_wait3A_739 : memref<32x1024xf32, #tpu.memory_space<hbm>>)
    %dma_wait3A_743 = arith.constant 0 : i32
    %dma_wait3A_744 = arith.constant 0 : i32
    %dma_wait3A_745 = tpu.memref_slice %arg3[%dma_wait3A_743, %add3A_278, %dma_wait3A_744] : memref<1x2048x1024xf32, #tpu.memory_space<hbm>> -> memref<1x32x1024xf32, #tpu.memory_space<hbm>>
    %dma_wait3A_746 = tpu.memref_squeeze %dma_wait3A_745 : memref<1x32x1024xf32, #tpu.memory_space<hbm>> -> memref<32x1024xf32, #tpu.memory_space<hbm>>
    %dma_wait3A_747 = arith.constant 32 : i32
    %dma_wait3A_748 = arith.constant 0 : i32
    %dma_wait3A_749 = tpu.memref_slice %arg5[%dma_wait3A_747, %dma_wait3A_748] : memref<1024x1024xf32, #tpu.memory_space<vmem_shared>> -> memref<32x1024xf32, #tpu.memory_space<vmem_shared>>
    tpu.wait_dma2 semaphore(%arg38 : memref<!tpu.dma_semaphore, #tpu.memory_space<semaphore_mem>>) src(%dma_wait3A_749 : memref<32x1024xf32, #tpu.memory_space<vmem_shared>>) dst(%dma_wait3A_746 : memref<32x1024xf32, #tpu.memory_space<hbm>>)
    %dma_wait3A_750 = arith.constant 0 : i32
    %dma_wait3A_751 = arith.constant 0 : i32
    %dma_wait3A_752 = tpu.memref_slice %arg3[%dma_wait3A_750, %add3A_293, %dma_wait3A_751] : memref<1x2048x1024xf32, #tpu.memory_space<hbm>> -> memref<1x32x1024xf32, #tpu.memory_space<hbm>>
    %dma_wait3A_753 = tpu.memref_squeeze %dma_wait3A_752 : memref<1x32x1024xf32, #tpu.memory_space<hbm>> -> memref<32x1024xf32, #tpu.memory_space<hbm>>
    %dma_wait3A_754 = arith.constant 64 : i32
    %dma_wait3A_755 = arith.constant 0 : i32
    %dma_wait3A_756 = tpu.memref_slice %arg5[%dma_wait3A_754, %dma_wait3A_755] : memref<1024x1024xf32, #tpu.memory_space<vmem_shared>> -> memref<32x1024xf32, #tpu.memory_space<vmem_shared>>
    tpu.wait_dma2 semaphore(%arg38 : memref<!tpu.dma_semaphore, #tpu.memory_space<semaphore_mem>>) src(%dma_wait3A_756 : memref<32x1024xf32, #tpu.memory_space<vmem_shared>>) dst(%dma_wait3A_753 : memref<32x1024xf32, #tpu.memory_space<hbm>>)
    %dma_wait3A_757 = arith.constant 0 : i32
    %dma_wait3A_758 = arith.constant 0 : i32
    %dma_wait3A_759 = tpu.memref_slice %arg3[%dma_wait3A_757, %add3A_308, %dma_wait3A_758] : memref<1x2048x1024xf32, #tpu.memory_space<hbm>> -> memref<1x32x1024xf32, #tpu.memory_space<hbm>>
    %dma_wait3A_760 = tpu.memref_squeeze %dma_wait3A_759 : memref<1x32x1024xf32, #tpu.memory_space<hbm>> -> memref<32x1024xf32, #tpu.memory_space<hbm>>
    %dma_wait3A_761 = arith.constant 96 : i32
    %dma_wait3A_762 = arith.constant 0 : i32
    %dma_wait3A_763 = tpu.memref_slice %arg5[%dma_wait3A_761, %dma_wait3A_762] : memref<1024x1024xf32, #tpu.memory_space<vmem_shared>> -> memref<32x1024xf32, #tpu.memory_space<vmem_shared>>
    tpu.wait_dma2 semaphore(%arg38 : memref<!tpu.dma_semaphore, #tpu.memory_space<semaphore_mem>>) src(%dma_wait3A_763 : memref<32x1024xf32, #tpu.memory_space<vmem_shared>>) dst(%dma_wait3A_760 : memref<32x1024xf32, #tpu.memory_space<hbm>>)
    %dma_wait3A_764 = arith.constant 0 : i32
    %dma_wait3A_765 = arith.constant 0 : i32
    %dma_wait3A_766 = tpu.memref_slice %arg3[%dma_wait3A_764, %add3A_323, %dma_wait3A_765] : memref<1x2048x1024xf32, #tpu.memory_space<hbm>> -> memref<1x32x1024xf32, #tpu.memory_space<hbm>>
    %dma_wait3A_767 = tpu.memref_squeeze %dma_wait3A_766 : memref<1x32x1024xf32, #tpu.memory_space<hbm>> -> memref<32x1024xf32, #tpu.memory_space<hbm>>
    %dma_wait3A_768 = arith.constant 128 : i32
    %dma_wait3A_769 = arith.constant 0 : i32
    %dma_wait3A_770 = tpu.memref_slice %arg5[%dma_wait3A_768, %dma_wait3A_769] : memref<1024x1024xf32, #tpu.memory_space<vmem_shared>> -> memref<32x1024xf32, #tpu.memory_space<vmem_shared>>
    tpu.wait_dma2 semaphore(%arg38 : memref<!tpu.dma_semaphore, #tpu.memory_space<semaphore_mem>>) src(%dma_wait3A_770 : memref<32x1024xf32, #tpu.memory_space<vmem_shared>>) dst(%dma_wait3A_767 : memref<32x1024xf32, #tpu.memory_space<hbm>>)
    %dma_wait3A_771 = arith.constant 0 : i32
    %dma_wait3A_772 = arith.constant 0 : i32
    %dma_wait3A_773 = tpu.memref_slice %arg3[%dma_wait3A_771, %add3A_338, %dma_wait3A_772] : memref<1x2048x1024xf32, #tpu.memory_space<hbm>> -> memref<1x32x1024xf32, #tpu.memory_space<hbm>>
    %dma_wait3A_774 = tpu.memref_squeeze %dma_wait3A_773 : memref<1x32x1024xf32, #tpu.memory_space<hbm>> -> memref<32x1024xf32, #tpu.memory_space<hbm>>
    %dma_wait3A_775 = arith.constant 160 : i32
    %dma_wait3A_776 = arith.constant 0 : i32
    %dma_wait3A_777 = tpu.memref_slice %arg5[%dma_wait3A_775, %dma_wait3A_776] : memref<1024x1024xf32, #tpu.memory_space<vmem_shared>> -> memref<32x1024xf32, #tpu.memory_space<vmem_shared>>
    tpu.wait_dma2 semaphore(%arg38 : memref<!tpu.dma_semaphore, #tpu.memory_space<semaphore_mem>>) src(%dma_wait3A_777 : memref<32x1024xf32, #tpu.memory_space<vmem_shared>>) dst(%dma_wait3A_774 : memref<32x1024xf32, #tpu.memory_space<hbm>>)
    %dma_wait3A_778 = arith.constant 0 : i32
    %dma_wait3A_779 = arith.constant 0 : i32
    %dma_wait3A_780 = tpu.memref_slice %arg3[%dma_wait3A_778, %add3A_353, %dma_wait3A_779] : memref<1x2048x1024xf32, #tpu.memory_space<hbm>> -> memref<1x32x1024xf32, #tpu.memory_space<hbm>>
    %dma_wait3A_781 = tpu.memref_squeeze %dma_wait3A_780 : memref<1x32x1024xf32, #tpu.memory_space<hbm>> -> memref<32x1024xf32, #tpu.memory_space<hbm>>
    %dma_wait3A_782 = arith.constant 192 : i32
    %dma_wait3A_783 = arith.constant 0 : i32
    %dma_wait3A_784 = tpu.memref_slice %arg5[%dma_wait3A_782, %dma_wait3A_783] : memref<1024x1024xf32, #tpu.memory_space<vmem_shared>> -> memref<32x1024xf32, #tpu.memory_space<vmem_shared>>
    tpu.wait_dma2 semaphore(%arg38 : memref<!tpu.dma_semaphore, #tpu.memory_space<semaphore_mem>>) src(%dma_wait3A_784 : memref<32x1024xf32, #tpu.memory_space<vmem_shared>>) dst(%dma_wait3A_781 : memref<32x1024xf32, #tpu.memory_space<hbm>>)
    %dma_wait3A_785 = arith.constant 0 : i32
    %dma_wait3A_786 = arith.constant 0 : i32
    %dma_wait3A_787 = tpu.memref_slice %arg3[%dma_wait3A_785, %add3A_368, %dma_wait3A_786] : memref<1x2048x1024xf32, #tpu.memory_space<hbm>> -> memref<1x32x1024xf32, #tpu.memory_space<hbm>>
    %dma_wait3A_788 = tpu.memref_squeeze %dma_wait3A_787 : memref<1x32x1024xf32, #tpu.memory_space<hbm>> -> memref<32x1024xf32, #tpu.memory_space<hbm>>
    %dma_wait3A_789 = arith.constant 224 : i32
    %dma_wait3A_790 = arith.constant 0 : i32
    %dma_wait3A_791 = tpu.memref_slice %arg5[%dma_wait3A_789, %dma_wait3A_790] : memref<1024x1024xf32, #tpu.memory_space<vmem_shared>> -> memref<32x1024xf32, #tpu.memory_space<vmem_shared>>
    tpu.wait_dma2 semaphore(%arg38 : memref<!tpu.dma_semaphore, #tpu.memory_space<semaphore_mem>>) src(%dma_wait3A_791 : memref<32x1024xf32, #tpu.memory_space<vmem_shared>>) dst(%dma_wait3A_788 : memref<32x1024xf32, #tpu.memory_space<hbm>>)
    %dma_wait3A_792 = arith.constant 0 : i32
    %dma_wait3A_793 = arith.constant 0 : i32
    %dma_wait3A_794 = tpu.memref_slice %arg3[%dma_wait3A_792, %add3A_383, %dma_wait3A_793] : memref<1x2048x1024xf32, #tpu.memory_space<hbm>> -> memref<1x32x1024xf32, #tpu.memory_space<hbm>>
    %dma_wait3A_795 = tpu.memref_squeeze %dma_wait3A_794 : memref<1x32x1024xf32, #tpu.memory_space<hbm>> -> memref<32x1024xf32, #tpu.memory_space<hbm>>
    %dma_wait3A_796 = arith.constant 256 : i32
    %dma_wait3A_797 = arith.constant 0 : i32
    %dma_wait3A_798 = tpu.memref_slice %arg5[%dma_wait3A_796, %dma_wait3A_797] : memref<1024x1024xf32, #tpu.memory_space<vmem_shared>> -> memref<32x1024xf32, #tpu.memory_space<vmem_shared>>
    tpu.wait_dma2 semaphore(%arg38 : memref<!tpu.dma_semaphore, #tpu.memory_space<semaphore_mem>>) src(%dma_wait3A_798 : memref<32x1024xf32, #tpu.memory_space<vmem_shared>>) dst(%dma_wait3A_795 : memref<32x1024xf32, #tpu.memory_space<hbm>>)
    %dma_wait3A_799 = arith.constant 0 : i32
    %dma_wait3A_800 = arith.constant 0 : i32
    %dma_wait3A_801 = tpu.memref_slice %arg3[%dma_wait3A_799, %add3A_398, %dma_wait3A_800] : memref<1x2048x1024xf32, #tpu.memory_space<hbm>> -> memref<1x32x1024xf32, #tpu.memory_space<hbm>>
    %dma_wait3A_802 = tpu.memref_squeeze %dma_wait3A_801 : memref<1x32x1024xf32, #tpu.memory_space<hbm>> -> memref<32x1024xf32, #tpu.memory_space<hbm>>
    %dma_wait3A_803 = arith.constant 288 : i32
    %dma_wait3A_804 = arith.constant 0 : i32
    %dma_wait3A_805 = tpu.memref_slice %arg5[%dma_wait3A_803, %dma_wait3A_804] : memref<1024x1024xf32, #tpu.memory_space<vmem_shared>> -> memref<32x1024xf32, #tpu.memory_space<vmem_shared>>
    tpu.wait_dma2 semaphore(%arg38 : memref<!tpu.dma_semaphore, #tpu.memory_space<semaphore_mem>>) src(%dma_wait3A_805 : memref<32x1024xf32, #tpu.memory_space<vmem_shared>>) dst(%dma_wait3A_802 : memref<32x1024xf32, #tpu.memory_space<hbm>>)
    %dma_wait3A_806 = arith.constant 0 : i32
    %dma_wait3A_807 = arith.constant 0 : i32
    %dma_wait3A_808 = tpu.memref_slice %arg3[%dma_wait3A_806, %add3A_413, %dma_wait3A_807] : memref<1x2048x1024xf32, #tpu.memory_space<hbm>> -> memref<1x32x1024xf32, #tpu.memory_space<hbm>>
    %dma_wait3A_809 = tpu.memref_squeeze %dma_wait3A_808 : memref<1x32x1024xf32, #tpu.memory_space<hbm>> -> memref<32x1024xf32, #tpu.memory_space<hbm>>
    %dma_wait3A_810 = arith.constant 320 : i32
    %dma_wait3A_811 = arith.constant 0 : i32
    %dma_wait3A_812 = tpu.memref_slice %arg5[%dma_wait3A_810, %dma_wait3A_811] : memref<1024x1024xf32, #tpu.memory_space<vmem_shared>> -> memref<32x1024xf32, #tpu.memory_space<vmem_shared>>
    tpu.wait_dma2 semaphore(%arg38 : memref<!tpu.dma_semaphore, #tpu.memory_space<semaphore_mem>>) src(%dma_wait3A_812 : memref<32x1024xf32, #tpu.memory_space<vmem_shared>>) dst(%dma_wait3A_809 : memref<32x1024xf32, #tpu.memory_space<hbm>>)
    %dma_wait3A_813 = arith.constant 0 : i32
    %dma_wait3A_814 = arith.constant 0 : i32
    %dma_wait3A_815 = tpu.memref_slice %arg3[%dma_wait3A_813, %add3A_428, %dma_wait3A_814] : memref<1x2048x1024xf32, #tpu.memory_space<hbm>> -> memref<1x32x1024xf32, #tpu.memory_space<hbm>>
    %dma_wait3A_816 = tpu.memref_squeeze %dma_wait3A_815 : memref<1x32x1024xf32, #tpu.memory_space<hbm>> -> memref<32x1024xf32, #tpu.memory_space<hbm>>
    %dma_wait3A_817 = arith.constant 352 : i32
    %dma_wait3A_818 = arith.constant 0 : i32
    %dma_wait3A_819 = tpu.memref_slice %arg5[%dma_wait3A_817, %dma_wait3A_818] : memref<1024x1024xf32, #tpu.memory_space<vmem_shared>> -> memref<32x1024xf32, #tpu.memory_space<vmem_shared>>
    tpu.wait_dma2 semaphore(%arg38 : memref<!tpu.dma_semaphore, #tpu.memory_space<semaphore_mem>>) src(%dma_wait3A_819 : memref<32x1024xf32, #tpu.memory_space<vmem_shared>>) dst(%dma_wait3A_816 : memref<32x1024xf32, #tpu.memory_space<hbm>>)
    %dma_wait3A_820 = arith.constant 0 : i32
    %dma_wait3A_821 = arith.constant 0 : i32
    %dma_wait3A_822 = tpu.memref_slice %arg3[%dma_wait3A_820, %add3A_443, %dma_wait3A_821] : memref<1x2048x1024xf32, #tpu.memory_space<hbm>> -> memref<1x32x1024xf32, #tpu.memory_space<hbm>>
    %dma_wait3A_823 = tpu.memref_squeeze %dma_wait3A_822 : memref<1x32x1024xf32, #tpu.memory_space<hbm>> -> memref<32x1024xf32, #tpu.memory_space<hbm>>
    %dma_wait3A_824 = arith.constant 384 : i32
    %dma_wait3A_825 = arith.constant 0 : i32
    %dma_wait3A_826 = tpu.memref_slice %arg5[%dma_wait3A_824, %dma_wait3A_825] : memref<1024x1024xf32, #tpu.memory_space<vmem_shared>> -> memref<32x1024xf32, #tpu.memory_space<vmem_shared>>
    tpu.wait_dma2 semaphore(%arg38 : memref<!tpu.dma_semaphore, #tpu.memory_space<semaphore_mem>>) src(%dma_wait3A_826 : memref<32x1024xf32, #tpu.memory_space<vmem_shared>>) dst(%dma_wait3A_823 : memref<32x1024xf32, #tpu.memory_space<hbm>>)
    %dma_wait3A_827 = arith.constant 0 : i32
    %dma_wait3A_828 = arith.constant 0 : i32
    %dma_wait3A_829 = tpu.memref_slice %arg3[%dma_wait3A_827, %add3A_458, %dma_wait3A_828] : memref<1x2048x1024xf32, #tpu.memory_space<hbm>> -> memref<1x32x1024xf32, #tpu.memory_space<hbm>>
    %dma_wait3A_830 = tpu.memref_squeeze %dma_wait3A_829 : memref<1x32x1024xf32, #tpu.memory_space<hbm>> -> memref<32x1024xf32, #tpu.memory_space<hbm>>
    %dma_wait3A_831 = arith.constant 416 : i32
    %dma_wait3A_832 = arith.constant 0 : i32
    %dma_wait3A_833 = tpu.memref_slice %arg5[%dma_wait3A_831, %dma_wait3A_832] : memref<1024x1024xf32, #tpu.memory_space<vmem_shared>> -> memref<32x1024xf32, #tpu.memory_space<vmem_shared>>
    tpu.wait_dma2 semaphore(%arg38 : memref<!tpu.dma_semaphore, #tpu.memory_space<semaphore_mem>>) src(%dma_wait3A_833 : memref<32x1024xf32, #tpu.memory_space<vmem_shared>>) dst(%dma_wait3A_830 : memref<32x1024xf32, #tpu.memory_space<hbm>>)
    %dma_wait3A_834 = arith.constant 0 : i32
    %dma_wait3A_835 = arith.constant 0 : i32
    %dma_wait3A_836 = tpu.memref_slice %arg3[%dma_wait3A_834, %add3A_473, %dma_wait3A_835] : memref<1x2048x1024xf32, #tpu.memory_space<hbm>> -> memref<1x32x1024xf32, #tpu.memory_space<hbm>>
    %dma_wait3A_837 = tpu.memref_squeeze %dma_wait3A_836 : memref<1x32x1024xf32, #tpu.memory_space<hbm>> -> memref<32x1024xf32, #tpu.memory_space<hbm>>
    %dma_wait3A_838 = arith.constant 448 : i32
    %dma_wait3A_839 = arith.constant 0 : i32
    %dma_wait3A_840 = tpu.memref_slice %arg5[%dma_wait3A_838, %dma_wait3A_839] : memref<1024x1024xf32, #tpu.memory_space<vmem_shared>> -> memref<32x1024xf32, #tpu.memory_space<vmem_shared>>
    tpu.wait_dma2 semaphore(%arg38 : memref<!tpu.dma_semaphore, #tpu.memory_space<semaphore_mem>>) src(%dma_wait3A_840 : memref<32x1024xf32, #tpu.memory_space<vmem_shared>>) dst(%dma_wait3A_837 : memref<32x1024xf32, #tpu.memory_space<hbm>>)
    %dma_wait3A_841 = arith.constant 0 : i32
    %dma_wait3A_842 = arith.constant 0 : i32
    %dma_wait3A_843 = tpu.memref_slice %arg3[%dma_wait3A_841, %add3A_488, %dma_wait3A_842] : memref<1x2048x1024xf32, #tpu.memory_space<hbm>> -> memref<1x32x1024xf32, #tpu.memory_space<hbm>>
    %dma_wait3A_844 = tpu.memref_squeeze %dma_wait3A_843 : memref<1x32x1024xf32, #tpu.memory_space<hbm>> -> memref<32x1024xf32, #tpu.memory_space<hbm>>
    %dma_wait3A_845 = arith.constant 480 : i32
    %dma_wait3A_846 = arith.constant 0 : i32
    %dma_wait3A_847 = tpu.memref_slice %arg5[%dma_wait3A_845, %dma_wait3A_846] : memref<1024x1024xf32, #tpu.memory_space<vmem_shared>> -> memref<32x1024xf32, #tpu.memory_space<vmem_shared>>
    tpu.wait_dma2 semaphore(%arg38 : memref<!tpu.dma_semaphore, #tpu.memory_space<semaphore_mem>>) src(%dma_wait3A_847 : memref<32x1024xf32, #tpu.memory_space<vmem_shared>>) dst(%dma_wait3A_844 : memref<32x1024xf32, #tpu.memory_space<hbm>>)
    %dma_wait3A_848 = arith.constant 0 : i32
    %dma_wait3A_849 = arith.constant 0 : i32
    %dma_wait3A_850 = tpu.memref_slice %arg3[%dma_wait3A_848, %add3A_503, %dma_wait3A_849] : memref<1x2048x1024xf32, #tpu.memory_space<hbm>> -> memref<1x32x1024xf32, #tpu.memory_space<hbm>>
    %dma_wait3A_851 = tpu.memref_squeeze %dma_wait3A_850 : memref<1x32x1024xf32, #tpu.memory_space<hbm>> -> memref<32x1024xf32, #tpu.memory_space<hbm>>
    %dma_wait3A_852 = arith.constant 512 : i32
    %dma_wait3A_853 = arith.constant 0 : i32
    %dma_wait3A_854 = tpu.memref_slice %arg5[%dma_wait3A_852, %dma_wait3A_853] : memref<1024x1024xf32, #tpu.memory_space<vmem_shared>> -> memref<32x1024xf32, #tpu.memory_space<vmem_shared>>
    tpu.wait_dma2 semaphore(%arg38 : memref<!tpu.dma_semaphore, #tpu.memory_space<semaphore_mem>>) src(%dma_wait3A_854 : memref<32x1024xf32, #tpu.memory_space<vmem_shared>>) dst(%dma_wait3A_851 : memref<32x1024xf32, #tpu.memory_space<hbm>>)
    %dma_wait3A_855 = arith.constant 0 : i32
    %dma_wait3A_856 = arith.constant 0 : i32
    %dma_wait3A_857 = tpu.memref_slice %arg3[%dma_wait3A_855, %add3A_518, %dma_wait3A_856] : memref<1x2048x1024xf32, #tpu.memory_space<hbm>> -> memref<1x32x1024xf32, #tpu.memory_space<hbm>>
    %dma_wait3A_858 = tpu.memref_squeeze %dma_wait3A_857 : memref<1x32x1024xf32, #tpu.memory_space<hbm>> -> memref<32x1024xf32, #tpu.memory_space<hbm>>
    %dma_wait3A_859 = arith.constant 544 : i32
    %dma_wait3A_860 = arith.constant 0 : i32
    %dma_wait3A_861 = tpu.memref_slice %arg5[%dma_wait3A_859, %dma_wait3A_860] : memref<1024x1024xf32, #tpu.memory_space<vmem_shared>> -> memref<32x1024xf32, #tpu.memory_space<vmem_shared>>
    tpu.wait_dma2 semaphore(%arg38 : memref<!tpu.dma_semaphore, #tpu.memory_space<semaphore_mem>>) src(%dma_wait3A_861 : memref<32x1024xf32, #tpu.memory_space<vmem_shared>>) dst(%dma_wait3A_858 : memref<32x1024xf32, #tpu.memory_space<hbm>>)
    %dma_wait3A_862 = arith.constant 0 : i32
    %dma_wait3A_863 = arith.constant 0 : i32
    %dma_wait3A_864 = tpu.memref_slice %arg3[%dma_wait3A_862, %add3A_533, %dma_wait3A_863] : memref<1x2048x1024xf32, #tpu.memory_space<hbm>> -> memref<1x32x1024xf32, #tpu.memory_space<hbm>>
    %dma_wait3A_865 = tpu.memref_squeeze %dma_wait3A_864 : memref<1x32x1024xf32, #tpu.memory_space<hbm>> -> memref<32x1024xf32, #tpu.memory_space<hbm>>
    %dma_wait3A_866 = arith.constant 576 : i32
    %dma_wait3A_867 = arith.constant 0 : i32
    %dma_wait3A_868 = tpu.memref_slice %arg5[%dma_wait3A_866, %dma_wait3A_867] : memref<1024x1024xf32, #tpu.memory_space<vmem_shared>> -> memref<32x1024xf32, #tpu.memory_space<vmem_shared>>
    tpu.wait_dma2 semaphore(%arg38 : memref<!tpu.dma_semaphore, #tpu.memory_space<semaphore_mem>>) src(%dma_wait3A_868 : memref<32x1024xf32, #tpu.memory_space<vmem_shared>>) dst(%dma_wait3A_865 : memref<32x1024xf32, #tpu.memory_space<hbm>>)
    %dma_wait3A_869 = arith.constant 0 : i32
    %dma_wait3A_870 = arith.constant 0 : i32
    %dma_wait3A_871 = tpu.memref_slice %arg3[%dma_wait3A_869, %add3A_548, %dma_wait3A_870] : memref<1x2048x1024xf32, #tpu.memory_space<hbm>> -> memref<1x32x1024xf32, #tpu.memory_space<hbm>>
    %dma_wait3A_872 = tpu.memref_squeeze %dma_wait3A_871 : memref<1x32x1024xf32, #tpu.memory_space<hbm>> -> memref<32x1024xf32, #tpu.memory_space<hbm>>
    %dma_wait3A_873 = arith.constant 608 : i32
    %dma_wait3A_874 = arith.constant 0 : i32
    %dma_wait3A_875 = tpu.memref_slice %arg5[%dma_wait3A_873, %dma_wait3A_874] : memref<1024x1024xf32, #tpu.memory_space<vmem_shared>> -> memref<32x1024xf32, #tpu.memory_space<vmem_shared>>
    tpu.wait_dma2 semaphore(%arg38 : memref<!tpu.dma_semaphore, #tpu.memory_space<semaphore_mem>>) src(%dma_wait3A_875 : memref<32x1024xf32, #tpu.memory_space<vmem_shared>>) dst(%dma_wait3A_872 : memref<32x1024xf32, #tpu.memory_space<hbm>>)
    %dma_wait3A_876 = arith.constant 0 : i32
    %dma_wait3A_877 = arith.constant 0 : i32
    %dma_wait3A_878 = tpu.memref_slice %arg3[%dma_wait3A_876, %add3A_563, %dma_wait3A_877] : memref<1x2048x1024xf32, #tpu.memory_space<hbm>> -> memref<1x32x1024xf32, #tpu.memory_space<hbm>>
    %dma_wait3A_879 = tpu.memref_squeeze %dma_wait3A_878 : memref<1x32x1024xf32, #tpu.memory_space<hbm>> -> memref<32x1024xf32, #tpu.memory_space<hbm>>
    %dma_wait3A_880 = arith.constant 640 : i32
    %dma_wait3A_881 = arith.constant 0 : i32
    %dma_wait3A_882 = tpu.memref_slice %arg5[%dma_wait3A_880, %dma_wait3A_881] : memref<1024x1024xf32, #tpu.memory_space<vmem_shared>> -> memref<32x1024xf32, #tpu.memory_space<vmem_shared>>
    tpu.wait_dma2 semaphore(%arg38 : memref<!tpu.dma_semaphore, #tpu.memory_space<semaphore_mem>>) src(%dma_wait3A_882 : memref<32x1024xf32, #tpu.memory_space<vmem_shared>>) dst(%dma_wait3A_879 : memref<32x1024xf32, #tpu.memory_space<hbm>>)
    %dma_wait3A_883 = arith.constant 0 : i32
    %dma_wait3A_884 = arith.constant 0 : i32
    %dma_wait3A_885 = tpu.memref_slice %arg3[%dma_wait3A_883, %add3A_578, %dma_wait3A_884] : memref<1x2048x1024xf32, #tpu.memory_space<hbm>> -> memref<1x32x1024xf32, #tpu.memory_space<hbm>>
    %dma_wait3A_886 = tpu.memref_squeeze %dma_wait3A_885 : memref<1x32x1024xf32, #tpu.memory_space<hbm>> -> memref<32x1024xf32, #tpu.memory_space<hbm>>
    %dma_wait3A_887 = arith.constant 672 : i32
    %dma_wait3A_888 = arith.constant 0 : i32
    %dma_wait3A_889 = tpu.memref_slice %arg5[%dma_wait3A_887, %dma_wait3A_888] : memref<1024x1024xf32, #tpu.memory_space<vmem_shared>> -> memref<32x1024xf32, #tpu.memory_space<vmem_shared>>
    tpu.wait_dma2 semaphore(%arg38 : memref<!tpu.dma_semaphore, #tpu.memory_space<semaphore_mem>>) src(%dma_wait3A_889 : memref<32x1024xf32, #tpu.memory_space<vmem_shared>>) dst(%dma_wait3A_886 : memref<32x1024xf32, #tpu.memory_space<hbm>>)
    %dma_wait3A_890 = arith.constant 0 : i32
    %dma_wait3A_891 = arith.constant 0 : i32
    %dma_wait3A_892 = tpu.memref_slice %arg3[%dma_wait3A_890, %add3A_593, %dma_wait3A_891] : memref<1x2048x1024xf32, #tpu.memory_space<hbm>> -> memref<1x32x1024xf32, #tpu.memory_space<hbm>>
    %dma_wait3A_893 = tpu.memref_squeeze %dma_wait3A_892 : memref<1x32x1024xf32, #tpu.memory_space<hbm>> -> memref<32x1024xf32, #tpu.memory_space<hbm>>
    %dma_wait3A_894 = arith.constant 704 : i32
    %dma_wait3A_895 = arith.constant 0 : i32
    %dma_wait3A_896 = tpu.memref_slice %arg5[%dma_wait3A_894, %dma_wait3A_895] : memref<1024x1024xf32, #tpu.memory_space<vmem_shared>> -> memref<32x1024xf32, #tpu.memory_space<vmem_shared>>
    tpu.wait_dma2 semaphore(%arg38 : memref<!tpu.dma_semaphore, #tpu.memory_space<semaphore_mem>>) src(%dma_wait3A_896 : memref<32x1024xf32, #tpu.memory_space<vmem_shared>>) dst(%dma_wait3A_893 : memref<32x1024xf32, #tpu.memory_space<hbm>>)
    %dma_wait3A_897 = arith.constant 0 : i32
    %dma_wait3A_898 = arith.constant 0 : i32
    %dma_wait3A_899 = tpu.memref_slice %arg3[%dma_wait3A_897, %add3A_608, %dma_wait3A_898] : memref<1x2048x1024xf32, #tpu.memory_space<hbm>> -> memref<1x32x1024xf32, #tpu.memory_space<hbm>>
    %dma_wait3A_900 = tpu.memref_squeeze %dma_wait3A_899 : memref<1x32x1024xf32, #tpu.memory_space<hbm>> -> memref<32x1024xf32, #tpu.memory_space<hbm>>
    %dma_wait3A_901 = arith.constant 736 : i32
    %dma_wait3A_902 = arith.constant 0 : i32
    %dma_wait3A_903 = tpu.memref_slice %arg5[%dma_wait3A_901, %dma_wait3A_902] : memref<1024x1024xf32, #tpu.memory_space<vmem_shared>> -> memref<32x1024xf32, #tpu.memory_space<vmem_shared>>
    tpu.wait_dma2 semaphore(%arg38 : memref<!tpu.dma_semaphore, #tpu.memory_space<semaphore_mem>>) src(%dma_wait3A_903 : memref<32x1024xf32, #tpu.memory_space<vmem_shared>>) dst(%dma_wait3A_900 : memref<32x1024xf32, #tpu.memory_space<hbm>>)
    %dma_wait3A_904 = arith.constant 0 : i32
    %dma_wait3A_905 = arith.constant 0 : i32
    %dma_wait3A_906 = tpu.memref_slice %arg3[%dma_wait3A_904, %add3A_623, %dma_wait3A_905] : memref<1x2048x1024xf32, #tpu.memory_space<hbm>> -> memref<1x32x1024xf32, #tpu.memory_space<hbm>>
    %dma_wait3A_907 = tpu.memref_squeeze %dma_wait3A_906 : memref<1x32x1024xf32, #tpu.memory_space<hbm>> -> memref<32x1024xf32, #tpu.memory_space<hbm>>
    %dma_wait3A_908 = arith.constant 768 : i32
    %dma_wait3A_909 = arith.constant 0 : i32
    %dma_wait3A_910 = tpu.memref_slice %arg5[%dma_wait3A_908, %dma_wait3A_909] : memref<1024x1024xf32, #tpu.memory_space<vmem_shared>> -> memref<32x1024xf32, #tpu.memory_space<vmem_shared>>
    tpu.wait_dma2 semaphore(%arg38 : memref<!tpu.dma_semaphore, #tpu.memory_space<semaphore_mem>>) src(%dma_wait3A_910 : memref<32x1024xf32, #tpu.memory_space<vmem_shared>>) dst(%dma_wait3A_907 : memref<32x1024xf32, #tpu.memory_space<hbm>>)
    %dma_wait3A_911 = arith.constant 0 : i32
    %dma_wait3A_912 = arith.constant 0 : i32
    %dma_wait3A_913 = tpu.memref_slice %arg3[%dma_wait3A_911, %add3A_638, %dma_wait3A_912] : memref<1x2048x1024xf32, #tpu.memory_space<hbm>> -> memref<1x32x1024xf32, #tpu.memory_space<hbm>>
    %dma_wait3A_914 = tpu.memref_squeeze %dma_wait3A_913 : memref<1x32x1024xf32, #tpu.memory_space<hbm>> -> memref<32x1024xf32, #tpu.memory_space<hbm>>
    %dma_wait3A_915 = arith.constant 800 : i32
    %dma_wait3A_916 = arith.constant 0 : i32
    %dma_wait3A_917 = tpu.memref_slice %arg5[%dma_wait3A_915, %dma_wait3A_916] : memref<1024x1024xf32, #tpu.memory_space<vmem_shared>> -> memref<32x1024xf32, #tpu.memory_space<vmem_shared>>
    tpu.wait_dma2 semaphore(%arg38 : memref<!tpu.dma_semaphore, #tpu.memory_space<semaphore_mem>>) src(%dma_wait3A_917 : memref<32x1024xf32, #tpu.memory_space<vmem_shared>>) dst(%dma_wait3A_914 : memref<32x1024xf32, #tpu.memory_space<hbm>>)
    %dma_wait3A_918 = arith.constant 0 : i32
    %dma_wait3A_919 = arith.constant 0 : i32
    %dma_wait3A_920 = tpu.memref_slice %arg3[%dma_wait3A_918, %add3A_653, %dma_wait3A_919] : memref<1x2048x1024xf32, #tpu.memory_space<hbm>> -> memref<1x32x1024xf32, #tpu.memory_space<hbm>>
    %dma_wait3A_921 = tpu.memref_squeeze %dma_wait3A_920 : memref<1x32x1024xf32, #tpu.memory_space<hbm>> -> memref<32x1024xf32, #tpu.memory_space<hbm>>
    %dma_wait3A_922 = arith.constant 832 : i32
    %dma_wait3A_923 = arith.constant 0 : i32
    %dma_wait3A_924 = tpu.memref_slice %arg5[%dma_wait3A_922, %dma_wait3A_923] : memref<1024x1024xf32, #tpu.memory_space<vmem_shared>> -> memref<32x1024xf32, #tpu.memory_space<vmem_shared>>
    tpu.wait_dma2 semaphore(%arg38 : memref<!tpu.dma_semaphore, #tpu.memory_space<semaphore_mem>>) src(%dma_wait3A_924 : memref<32x1024xf32, #tpu.memory_space<vmem_shared>>) dst(%dma_wait3A_921 : memref<32x1024xf32, #tpu.memory_space<hbm>>)
    %dma_wait3A_925 = arith.constant 0 : i32
    %dma_wait3A_926 = arith.constant 0 : i32
    %dma_wait3A_927 = tpu.memref_slice %arg3[%dma_wait3A_925, %add3A_668, %dma_wait3A_926] : memref<1x2048x1024xf32, #tpu.memory_space<hbm>> -> memref<1x32x1024xf32, #tpu.memory_space<hbm>>
    %dma_wait3A_928 = tpu.memref_squeeze %dma_wait3A_927 : memref<1x32x1024xf32, #tpu.memory_space<hbm>> -> memref<32x1024xf32, #tpu.memory_space<hbm>>
    %dma_wait3A_929 = arith.constant 864 : i32
    %dma_wait3A_930 = arith.constant 0 : i32
    %dma_wait3A_931 = tpu.memref_slice %arg5[%dma_wait3A_929, %dma_wait3A_930] : memref<1024x1024xf32, #tpu.memory_space<vmem_shared>> -> memref<32x1024xf32, #tpu.memory_space<vmem_shared>>
    tpu.wait_dma2 semaphore(%arg38 : memref<!tpu.dma_semaphore, #tpu.memory_space<semaphore_mem>>) src(%dma_wait3A_931 : memref<32x1024xf32, #tpu.memory_space<vmem_shared>>) dst(%dma_wait3A_928 : memref<32x1024xf32, #tpu.memory_space<hbm>>)
    %dma_wait3A_932 = arith.constant 0 : i32
    %dma_wait3A_933 = arith.constant 0 : i32
    %dma_wait3A_934 = tpu.memref_slice %arg3[%dma_wait3A_932, %add3A_683, %dma_wait3A_933] : memref<1x2048x1024xf32, #tpu.memory_space<hbm>> -> memref<1x32x1024xf32, #tpu.memory_space<hbm>>
    %dma_wait3A_935 = tpu.memref_squeeze %dma_wait3A_934 : memref<1x32x1024xf32, #tpu.memory_space<hbm>> -> memref<32x1024xf32, #tpu.memory_space<hbm>>
    %dma_wait3A_936 = arith.constant 896 : i32
    %dma_wait3A_937 = arith.constant 0 : i32
    %dma_wait3A_938 = tpu.memref_slice %arg5[%dma_wait3A_936, %dma_wait3A_937] : memref<1024x1024xf32, #tpu.memory_space<vmem_shared>> -> memref<32x1024xf32, #tpu.memory_space<vmem_shared>>
    tpu.wait_dma2 semaphore(%arg38 : memref<!tpu.dma_semaphore, #tpu.memory_space<semaphore_mem>>) src(%dma_wait3A_938 : memref<32x1024xf32, #tpu.memory_space<vmem_shared>>) dst(%dma_wait3A_935 : memref<32x1024xf32, #tpu.memory_space<hbm>>)
    %dma_wait3A_939 = arith.constant 0 : i32
    %dma_wait3A_940 = arith.constant 0 : i32
    %dma_wait3A_941 = tpu.memref_slice %arg3[%dma_wait3A_939, %add3A_698, %dma_wait3A_940] : memref<1x2048x1024xf32, #tpu.memory_space<hbm>> -> memref<1x32x1024xf32, #tpu.memory_space<hbm>>
    %dma_wait3A_942 = tpu.memref_squeeze %dma_wait3A_941 : memref<1x32x1024xf32, #tpu.memory_space<hbm>> -> memref<32x1024xf32, #tpu.memory_space<hbm>>
    %dma_wait3A_943 = arith.constant 928 : i32
    %dma_wait3A_944 = arith.constant 0 : i32
    %dma_wait3A_945 = tpu.memref_slice %arg5[%dma_wait3A_943, %dma_wait3A_944] : memref<1024x1024xf32, #tpu.memory_space<vmem_shared>> -> memref<32x1024xf32, #tpu.memory_space<vmem_shared>>
    tpu.wait_dma2 semaphore(%arg38 : memref<!tpu.dma_semaphore, #tpu.memory_space<semaphore_mem>>) src(%dma_wait3A_945 : memref<32x1024xf32, #tpu.memory_space<vmem_shared>>) dst(%dma_wait3A_942 : memref<32x1024xf32, #tpu.memory_space<hbm>>)
    %dma_wait3A_946 = arith.constant 0 : i32
    %dma_wait3A_947 = arith.constant 0 : i32
    %dma_wait3A_948 = tpu.memref_slice %arg3[%dma_wait3A_946, %add3A_713, %dma_wait3A_947] : memref<1x2048x1024xf32, #tpu.memory_space<hbm>> -> memref<1x32x1024xf32, #tpu.memory_space<hbm>>
    %dma_wait3A_949 = tpu.memref_squeeze %dma_wait3A_948 : memref<1x32x1024xf32, #tpu.memory_space<hbm>> -> memref<32x1024xf32, #tpu.memory_space<hbm>>
    %dma_wait3A_950 = arith.constant 960 : i32
    %dma_wait3A_951 = arith.constant 0 : i32
    %dma_wait3A_952 = tpu.memref_slice %arg5[%dma_wait3A_950, %dma_wait3A_951] : memref<1024x1024xf32, #tpu.memory_space<vmem_shared>> -> memref<32x1024xf32, #tpu.memory_space<vmem_shared>>
    tpu.wait_dma2 semaphore(%arg38 : memref<!tpu.dma_semaphore, #tpu.memory_space<semaphore_mem>>) src(%dma_wait3A_952 : memref<32x1024xf32, #tpu.memory_space<vmem_shared>>) dst(%dma_wait3A_949 : memref<32x1024xf32, #tpu.memory_space<hbm>>)
    %dma_wait3A_953 = arith.constant 0 : i32
    %dma_wait3A_954 = arith.constant 0 : i32
    %dma_wait3A_955 = tpu.memref_slice %arg3[%dma_wait3A_953, %add3A_728, %dma_wait3A_954] : memref<1x2048x1024xf32, #tpu.memory_space<hbm>> -> memref<1x32x1024xf32, #tpu.memory_space<hbm>>
    %dma_wait3A_956 = tpu.memref_squeeze %dma_wait3A_955 : memref<1x32x1024xf32, #tpu.memory_space<hbm>> -> memref<32x1024xf32, #tpu.memory_space<hbm>>
    %dma_wait3A_957 = arith.constant 992 : i32
    %dma_wait3A_958 = arith.constant 0 : i32
    %dma_wait3A_959 = tpu.memref_slice %arg5[%dma_wait3A_957, %dma_wait3A_958] : memref<1024x1024xf32, #tpu.memory_space<vmem_shared>> -> memref<32x1024xf32, #tpu.memory_space<vmem_shared>>
    tpu.wait_dma2 semaphore(%arg38 : memref<!tpu.dma_semaphore, #tpu.memory_space<semaphore_mem>>) src(%dma_wait3A_959 : memref<32x1024xf32, #tpu.memory_space<vmem_shared>>) dst(%dma_wait3A_956 : memref<32x1024xf32, #tpu.memory_space<hbm>>)
    return
  }
}

</mosaic_0001>

<sc_bundles>
// kernel: kernel.3.cloned.1.call-start
scs
__scs_entry_jumppad:
0x0: {  	(pc) =	sbr.rel $0x88, $3  }
0x1: {  	(tag) =	ssettag $0x0;
	lr =	simm.s32 $0x1  }
0x2: {  	[smem:$0x3F9F] =	sst lr;
	_ =	strace $0xD0000000  }
0x3: {  	_ = 	snop  }
0x4: {  	_ = 	snop  }
0x5: {  	_ = 	snop  }
0x6: {  	_ = 	snop  }
0x7: {  	_ = 	snop  }
__scs_overlays_trampoline_lowered:
0x8: {  	[smem:$0x3FAE] =	sst s0  }
0x9: {  	[smem:$0x3FAF] =	sst s1  }
0xa: {  	[smem:$0x3FB0] =	sst s2  }
0xb: {  	[smem:$0x3FB1] =	sst s3  }
0xc: {  	[smem:$0x3FB2] =	sst s4  }
0xd: {  	[smem:$0x3FB3] =	sst s5  }
0xe: {  	[smem:$0x3FB4] =	sst s6  }
0xf: {  	[smem:$0x3FB5] =	sst s7  }
0x10: {  	[smem:$0x3FB6] =	sst s8  }
0x11: {  	[smem:$0x3FB7] =	sst s9;
	s0 =	simm.s32 @!p0 $0x0  }
0x12: {  	s1 =	sld [smem:$0x3F9D];
	s0 =	simm.s32 @p0 $0x1  }
0x13: {  	[smem:$0x3FB8] =	sst s0;
	s0 =	simm.s32 @!p1 $0x0  }
0x14: {  	s2 =	sld [smem:$0x3F9C];
	s0 =	simm.s32 @p1 $0x1  }
0x15: {  	[smem:$0x3FB9] =	sst s0;
	s0 =	simm.s32 @!p2 $0x0  }
0x16: {  	s3 =	sld [smem:$0x3FDB];
	s0 =	simm.s32 @p2 $0x1  }
0x17: {  	s4 =	simm.s32 $0x1BF5;
	[smem:$0x3FBB] =	sst s0  }
0x18: {  	s0 =	sld [smem:$0x3F9E];
	_ =	swait.ge [sflag:s4], $0x0  }
0x19: {  	s7 =	sld [smem:$0x3F9F]  }
0x1a: {  	s8 =	sadd.s32 $0xFFFFE003, lr  }
0x1b: {  	s9 =	sadd.s32 $0xFFFFFEF7, lr;
	s5 =	simm.s32 $0xFFFFFFFF;
	p2 =	slt.u32 s8, $0xFFFFF086  }
0x1c: {  	p1 =	slt.u32 s9, $0xF7A;
	s5 =	simm.s32 @!p2 $0x0  }
0x1d: {  	s5 =	simm.s32 @p1 $0x1;
	p0 =	seq.s32 s7, s2  }
0x1e: {  	s7 =	smul.u32 @!p0 $0xF7A, s2;
	p2 =	seq.s32 @!p0 s5, $0x0  }
0x1f: {  	s9 =	smul.u32 $0xF7A, s1;
	s8 =	simm.s32 @!p0 $0x1BF5;
	p2 =	por !p2, p0  }
0x20: {  	[sflag:s8] =	ssyncset.s32 @!p0 $0xFFFFF086;
	s6 =	sadd.s32 @!p0 s3, s7;
	s7 =	simm.s32 @!p0 $0x108  }
0x21: {  	s3 =	sadd.s32 s3, s9;
	s6 =	sadd.s32 @!p0 $0x88, s6;
	s7 =	simm.s32 @p2 $0x1082  }
0x22: {  	[simem:s7], [sflag:s8] =	dma.local @!p0 [hbm:s6], $0xF7A  }
0x23: {  	s9 =	sor.u32 $0xD0000000, s2;
	s6 =	simm.s32 $0x108;
	_ =	swait.ge @!p0 [sflag:s8], $0x0  }
0x24: {  	s3 =	sadd.s32 $0x88, s3;
	s6 =	simm.s32 @!p1 $0x1082;
	[sflag:s4] =	ssyncset.s32 $0xFFFFF086  }
0x25: {  	[simem:s6], [sflag:s4] =	dma.local [hbm:s3], $0xF7A  }
0x26: {  	[smem:$0x3F9F] =	sst s1;
	(tag) =	ssettag s2;
	_ =	strace s9  }
0x27: {  	s1 =	sld [smem:$0x3FAF]  }
0x28: {  	s2 =	sld [smem:$0x3FB0]  }
0x29: {  	s4 =	sld [smem:$0x3FB2]  }
0x2a: {  	p0 =	seq.s32 s5, $0x0;
	s5 =	sld [smem:$0x3FB3]  }
0x2b: {  	s6 =	sld [smem:$0x3FB4]  }
0x2c: {  	s7 =	sld [smem:$0x3FB5]  }
0x2d: {  	s3 =	simm.s32 $0x108;
	s8 =	sld [smem:$0x3FB6]  }
0x2e: {  	s3 =	simm.s32 @!p0 $0x1082;
	s9 =	sld [smem:$0x3FB7]  }
0x2f: {  	lr =	sadd.s32 s0, s3;
	s0 =	sld [smem:$0x3FAE]  }
0x30: {  	s3 =	sld [smem:$0x3FB1]  }
0x31: {  	[smem:$0x3FBA] =	sst s10  }
0x32: {  	s10 =	sld [smem:$0x3FB8];
	_ =	sdelay $0x3  }
0x33: {  	p0 =	seq.s32 s10, $0x1;
	s10 =	sld [smem:$0x3FBA];
	_ =	sdelay $0x3  }
0x34: {  	[smem:$0x3FBA] =	sst s10  }
0x35: {  	s10 =	sld [smem:$0x3FB9];
	_ =	sdelay $0x3  }
0x36: {  	p1 =	seq.s32 s10, $0x1;
	s10 =	sld [smem:$0x3FBA];
	_ =	sdelay $0x3  }
0x37: {  	[smem:$0x3FBA] =	sst s10  }
0x38: {  	s10 =	sld [smem:$0x3FBB]  }
0x39: {  	_ = 	snop;
	(pc) =	sbr.ind lr, $3  }
0x3a: {  	_ = 	snop  }
0x3b: {  	_ = 	snop  }
0x3c: {  	p2 =	seq.s32 s10, $0x1;
	s10 =	sld [smem:$0x3FBA]  }
0x3d: {  	_ =	shalt  }
0x3e: {  	_ =	shalt  }
0x3f: {  	_ =	shalt  }
0x40: {  	_ =	shalt  }
0x41: {  	_ =	shalt  }
0x42: {  	_ =	shalt  }
0x43: {  	_ =	shalt  }
0x44: {  	_ =	shalt  }
0x45: {  	_ =	shalt  }
0x46: {  	_ =	shalt  }
0x47: {  	_ =	shalt  }
0x48: {  	_ =	shalt  }
0x49: {  	_ =	shalt  }
0x4a: {  	_ =	shalt  }
0x4b: {  	_ =	shalt  }
0x4c: {  	_ =	shalt  }
0x4d: {  	_ =	shalt  }
0x4e: {  	_ =	shalt  }
0x4f: {  	_ =	shalt  }
0x50: {  	_ =	shalt  }
0x51: {  	_ =	shalt  }
0x52: {  	_ =	shalt  }
0x53: {  	_ =	shalt  }
0x54: {  	_ =	shalt  }
0x55: {  	_ =	shalt  }
0x56: {  	_ =	shalt  }
0x57: {  	_ =	shalt  }
0x58: {  	_ =	shalt  }
0x59: {  	_ =	shalt  }
0x5a: {  	_ =	shalt  }
0x5b: {  	_ =	shalt  }
0x5c: {  	_ =	shalt  }
0x5d: {  	_ =	shalt  }
0x5e: {  	_ =	shalt  }
0x5f: {  	_ =	shalt  }
0x60: {  	_ =	shalt  }
0x61: {  	_ =	shalt  }
0x62: {  	_ =	shalt  }
0x63: {  	_ =	shalt  }
0x64: {  	_ =	shalt  }
0x65: {  	_ =	shalt  }
0x66: {  	_ =	shalt  }
0x67: {  	_ =	shalt  }
0x68: {  	_ =	shalt  }
0x69: {  	_ =	shalt  }
0x6a: {  	_ =	shalt  }
0x6b: {  	_ =	shalt  }
0x6c: {  	_ =	shalt  }
0x6d: {  	_ =	shalt  }
0x6e: {  	_ =	shalt  }
0x6f: {  	_ =	shalt  }
0x70: {  	_ =	shalt  }
0x71: {  	_ =	shalt  }
0x72: {  	_ =	shalt  }
0x73: {  	_ =	shalt  }
0x74: {  	_ =	shalt  }
0x75: {  	_ =	shalt  }
0x76: {  	_ =	shalt  }
0x77: {  	_ =	shalt  }
0x78: {  	_ =	shalt  }
0x79: {  	_ =	shalt  }
0x7a: {  	_ =	shalt  }
0x7b: {  	_ =	shalt  }
0x7c: {  	_ =	shalt  }
0x7d: {  	_ =	shalt  }
0x7e: {  	_ =	shalt  }
0x7f: {  	_ =	shalt  }
0x80: {  	_ =	shalt  }
0x81: {  	_ =	shalt  }
0x82: {  	_ =	shalt  }
0x83: {  	_ =	shalt  }
0x84: {  	_ =	shalt  }
0x85: {  	_ =	shalt  }
0x86: {  	_ =	shalt  }
0x87: {  	_ =	shalt  }
.Lfunc_end0:
.L_simem_size_0:
called_computation_lowered:
.L_overlay_start_0:
0x88: {  	s0 =	sld [smem:$0x3FD9]  }
0x89: {  	s1 =	sld [smem:$0x3FFE];
	_ =	sdelay $0x1  }
0x8a: {  	s2 =	srdreg.scid  }
0x8b: {  	s4 =	sand.u32 $0x1, s2  }
0x8c: {  	s12 =	sshll.u32 s4, $0xA;
	s0 =	sadd.s32 s1, s0  }
0x8d: {  	[dreg:$0x0] =	wrdreg s4;
	s0 =	sadd.s32 s0, s12  }
0x8e: {  	s13 =	simm.s32 $0x0;
	[smem:$0x3FC6] =	sst s0  }
0x8f: {  	[smem:$0xF] =	sst s13  }
0x90: {  	s3 =	sld [smem:$0x3FC9]  }
0x91: {  	s0 =	sld [smem:$0x3FC8]  }
0x92: {  	s28 =	sld [smem:$0x3FD0];
	(tm) =	ssettm $0x1  }
0x93: {  	s14 =	sld [smem:$0x3FFB];
	_ =	sdelay $0x3  }
0x94: {  	_ =	strace s14  }
0x95: {  	s1 =	sld [smem:$0x3FFC];
	_ =	sdelay $0x3  }
0x96: {  	_ =	strace s1  }
0x97: {  	s1 =	sld [smem:$0x3FFD];
	_ =	sdelay $0x3  }
0x98: {  	_ =	strace s1  }
0x99: {  	s15 =	simm.s32 $0x1B8B;
	_ =	strace $0x8FFFFFFF  }
0x9a: {  	_ =	swait.ge [sflag:s15], $0x1  }
0x9b: {  	[sflag:s15] =	ssyncset.done $0x0  }
0x9c: {  	s16 =	simm.s32 $0x1B8E;
	[sflag:s15] =	ssyncadd.s32 $0xFFFFFFFF  }
0x9d: {  	[smem:$0x3FD2] =	sst s16  }
0x9e: {  	s17 =	simm.s32 $0x2A;
	s5 =	simm.s32 $0x10;
	_ =	strace $0x80000046  }
0x9f: {  	[smem:s5], [sflag:s17] =	dma.local [hbm:s0], $0x10  }
0xa0: {  	_ =	swait.ge [sflag:s17], $0x10  }
0xa1: {  	[sflag:s17] =	ssyncset.done $0x0  }
0xa2: {  	[sflag:s17] =	ssyncadd.s32 $0xFFFFFFF0  }
0xa3: {  	s1 =	sld [smem:$0x10];
	_ =	sdelay $0x3  }
0xa4: {  	s0 =	sshll.u32 s4, $0x14;
	s1 =	sshll.u32 s1, $0x15  }
0xa5: {  	s4 =	sor.u32 s0, s1  }
0xa6: {  	s6 =	simm.s32 $0x0;
	s4 =	sshrl.u32 s4, $0x3  }
0xa7: {  	s7 =	simm.s32 $0x9;
	s18 =	sor.u32 $0x8000, s0;
	s4 =	sadd.s32 s3, s4  }
0xa8: {  	[spmem:s6], [sflag:s7] =	dma.local [hbm:s4], $0x1000  }
0xa9: {  	s4 =	sor.u32 s18, s1  }
0xaa: {  	s19 =	simm.s32 $0xA;
	s20 =	simm.s32 $0x1000;
	s4 =	sshrl.u32 s4, $0x3  }
0xab: {  	s21 =	sor.u32 $0x10000, s0;
	[dreg:$0x1] =	wrdreg s18;
	s4 =	sadd.s32 s3, s4  }
0xac: {  	[spmem:s20], [sflag:s19] =	dma.local [hbm:s4], $0x1000  }
0xad: {  	s4 =	sor.u32 s21, s1  }
0xae: {  	s22 =	simm.s32 $0xB;
	s23 =	simm.s32 $0x2000;
	s4 =	sshrl.u32 s4, $0x3  }
0xaf: {  	s24 =	sor.u32 $0x18000, s0;
	[dreg:$0x2] =	wrdreg s21;
	s4 =	sadd.s32 s3, s4  }
0xb0: {  	[spmem:s23], [sflag:s22] =	dma.local [hbm:s4], $0x1000  }
0xb1: {  	s4 =	sor.u32 s24, s1  }
0xb2: {  	s25 =	simm.s32 $0xC;
	s26 =	simm.s32 $0x3000;
	s4 =	sshrl.u32 s4, $0x3  }
0xb3: {  	s29 =	sor.u32 $0x20000, s0;
	[dreg:$0x3] =	wrdreg s24;
	s4 =	sadd.s32 s3, s4  }
0xb4: {  	[spmem:s26], [sflag:s25] =	dma.local [hbm:s4], $0x1000  }
0xb5: {  	s30 =	simm.s32 $0xD;
	s4 =	sor.u32 s29, s1  }
0xb6: {  	[dreg:$0x4] =	wrdreg s29;
	s29 =	sor.u32 $0x28000, s0;
	s4 =	sshrl.u32 s4, $0x3  }
0xb7: {  	s31 =	simm.s32 $0x4000;
	s2 =	sor.u32 s29, s1;
	s4 =	sadd.s32 s3, s4  }
0xb8: {  	[spmem:s31], [sflag:s30] =	dma.local [hbm:s4], $0x1000  }
0xb9: {  	s8 =	simm.s32 $0x5000;
	s26 =	sor.u32 $0x30000, s0;
	s4 =	sshrl.u32 s2, $0x3  }
0xba: {  	s6 =	simm.s32 $0xE;
	s9 =	sor.u32 s26, s1;
	s4 =	sadd.s32 s3, s4  }
0xbb: {  	[spmem:s8], [sflag:s6] =	dma.local [hbm:s4], $0x1000  }
0xbc: {  	s10 =	simm.s32 $0xF;
	s24 =	sor.u32 $0x38000, s0;
	s4 =	sshrl.u32 s9, $0x3  }
0xbd: {  	s11 =	simm.s32 $0x6000;
	s12 =	sor.u32 s24, s1;
	s4 =	sadd.s32 s3, s4  }
0xbe: {  	[spmem:s11], [sflag:s10] =	dma.local [hbm:s4], $0x1000  }
0xbf: {  	s4 =	sshrl.u32 s12, $0x3  }
0xc0: {  	s13 =	simm.s32 $0x7000;
	s14 =	sor.u32 $0x40000, s0;
	s4 =	sadd.s32 s3, s4  }
0xc1: {  	[spmem:s13], [sflag:s5] =	dma.local [hbm:s4], $0x1000  }
0xc2: {  	s15 =	simm.s32 $0x11;
	s17 =	sor.u32 $0x48000, s0;
	s4 =	sor.u32 s14, s1  }
0xc3: {  	s16 =	simm.s32 $0x8000;
	s18 =	sor.u32 s17, s1;
	s4 =	sshrl.u32 s4, $0x3  }
0xc4: {  	s19 =	simm.s32 $0x12;
	[dreg:$0x5] =	wrdreg s14;
	s4 =	sadd.s32 s3, s4  }
0xc5: {  	[spmem:s16], [sflag:s15] =	dma.local [hbm:s4], $0x1000  }
0xc6: {  	s20 =	simm.s32 $0x9000;
	s31 =	sor.u32 $0x50000, s0;
	s4 =	sshrl.u32 s18, $0x3  }
0xc7: {  	s21 =	sor.u32 s31, s1;
	[dreg:$0x6] =	wrdreg s17;
	s4 =	sadd.s32 s3, s4  }
0xc8: {  	[spmem:s20], [sflag:s19] =	dma.local [hbm:s4], $0x1000  }
0xc9: {  	s4 =	sshrl.u32 s21, $0x3  }
0xca: {  	s22 =	simm.s32 $0x13;
	s23 =	simm.s32 $0xA000;
	s4 =	sadd.s32 s3, s4  }
0xcb: {  	[spmem:s23], [sflag:s22] =	dma.local [hbm:s4], $0x1000  }
0xcc: {  	s23 =	sor.u32 $0x58000, s0  }
0xcd: {  	s25 =	sor.u32 s23, s1  }
0xce: {  	s30 =	simm.s32 $0x14;
	s22 =	sor.u32 $0x60000, s0;
	s4 =	sshrl.u32 s25, $0x3  }
0xcf: {  	s2 =	simm.s32 $0xB000;
	s7 =	sor.u32 s22, s1;
	s4 =	sadd.s32 s3, s4  }
0xd0: {  	[spmem:s2], [sflag:s30] =	dma.local [hbm:s4], $0x1000  }
0xd1: {  	s8 =	simm.s32 $0x15;
	s21 =	sor.u32 $0x68000, s0;
	s4 =	sshrl.u32 s7, $0x3  }
0xd2: {  	s9 =	simm.s32 $0xC000;
	s10 =	sor.u32 s21, s1;
	s4 =	sadd.s32 s3, s4  }
0xd3: {  	[spmem:s9], [sflag:s8] =	dma.local [hbm:s4], $0x1000  }
0xd4: {  	s11 =	simm.s32 $0x16;
	s20 =	sor.u32 $0x70000, s0;
	s4 =	sshrl.u32 s10, $0x3  }
0xd5: {  	s12 =	simm.s32 $0xD000;
	s13 =	sor.u32 s20, s1;
	s4 =	sadd.s32 s3, s4  }
0xd6: {  	[spmem:s12], [sflag:s11] =	dma.local [hbm:s4], $0x1000  }
0xd7: {  	s14 =	simm.s32 $0x17;
	s19 =	sor.u32 $0x78000, s0;
	s4 =	sshrl.u32 s13, $0x3  }
0xd8: {  	s15 =	simm.s32 $0xE000;
	s16 =	sor.u32 s19, s1;
	s4 =	sadd.s32 s3, s4  }
0xd9: {  	[spmem:s15], [sflag:s14] =	dma.local [hbm:s4], $0x1000  }
0xda: {  	s4 =	sshrl.u32 s16, $0x3  }
0xdb: {  	s17 =	simm.s32 $0x18;
	s18 =	simm.s32 $0xF000;
	s4 =	sadd.s32 s3, s4  }
0xdc: {  	[spmem:s18], [sflag:s17] =	dma.local [hbm:s4], $0x1000  }
0xdd: {  	s18 =	sor.u32 $0x80000, s0  }
0xde: {  	s25 =	sor.u32 s18, s1  }
0xdf: {  	s30 =	simm.s32 $0x19;
	s17 =	sor.u32 $0x88000, s0;
	s4 =	sshrl.u32 s25, $0x3  }
0xe0: {  	s2 =	simm.s32 $0x10000;
	s6 =	sor.u32 s17, s1;
	s4 =	sadd.s32 s3, s4  }
0xe1: {  	[spmem:s2], [sflag:s30] =	dma.local [hbm:s4], $0x1000  }
0xe2: {  	s7 =	simm.s32 $0x1A;
	s16 =	sor.u32 $0x90000, s0;
	s4 =	sshrl.u32 s6, $0x3  }
0xe3: {  	s8 =	simm.s32 $0x11000;
	s9 =	sor.u32 s16, s1;
	s4 =	sadd.s32 s3, s4  }
0xe4: {  	[spmem:s8], [sflag:s7] =	dma.local [hbm:s4], $0x1000  }
0xe5: {  	s10 =	simm.s32 $0x1B;
	s15 =	sor.u32 $0x98000, s0;
	s4 =	sshrl.u32 s9, $0x3  }
0xe6: {  	s11 =	simm.s32 $0x12000;
	s12 =	sor.u32 s15, s1;
	s4 =	sadd.s32 s3, s4  }
0xe7: {  	[spmem:s11], [sflag:s10] =	dma.local [hbm:s4], $0x1000  }
0xe8: {  	s4 =	sshrl.u32 s12, $0x3  }
0xe9: {  	s13 =	simm.s32 $0x1C;
	s14 =	simm.s32 $0x13000;
	s4 =	sadd.s32 s3, s4  }
0xea: {  	[spmem:s14], [sflag:s13] =	dma.local [hbm:s4], $0x1000  }
0xeb: {  	s14 =	sor.u32 $0xA0000, s0  }
0xec: {  	s25 =	sor.u32 s14, s1  }
0xed: {  	s30 =	simm.s32 $0x1D;
	s13 =	sor.u32 $0xA8000, s0;
	s4 =	sshrl.u32 s25, $0x3  }
0xee: {  	s2 =	simm.s32 $0x14000;
	s6 =	sor.u32 s13, s1;
	s4 =	sadd.s32 s3, s4  }
0xef: {  	[spmem:s2], [sflag:s30] =	dma.local [hbm:s4], $0x1000  }
0xf0: {  	s7 =	simm.s32 $0x1E;
	s12 =	sor.u32 $0xB0000, s0;
	s4 =	sshrl.u32 s6, $0x3  }
0xf1: {  	s8 =	simm.s32 $0x15000;
	s9 =	sor.u32 s12, s1;
	s4 =	sadd.s32 s3, s4  }
0xf2: {  	[spmem:s8], [sflag:s7] =	dma.local [hbm:s4], $0x1000  }
0xf3: {  	s4 =	sshrl.u32 s9, $0x3  }
0xf4: {  	s10 =	simm.s32 $0x1F;
	s11 =	simm.s32 $0x16000;
	s4 =	sadd.s32 s3, s4  }
0xf5: {  	[spmem:s11], [sflag:s10] =	dma.local [hbm:s4], $0x1000  }
0xf6: {  	s11 =	sor.u32 $0xB8000, s0  }
0xf7: {  	s25 =	sor.u32 s11, s1  }
0xf8: {  	s30 =	simm.s32 $0x20;
	s10 =	sor.u32 $0xC0000, s0;
	s4 =	sshrl.u32 s25, $0x3  }
0xf9: {  	s2 =	simm.s32 $0x17000;
	s7 =	sor.u32 s10, s1;
	s4 =	sadd.s32 s3, s4  }
0xfa: {  	[spmem:s2], [sflag:s30] =	dma.local [hbm:s4], $0x1000  }
0xfb: {  	s4 =	sshrl.u32 s7, $0x3  }
0xfc: {  	s8 =	simm.s32 $0x21;
	s9 =	simm.s32 $0x18000;
	s4 =	sadd.s32 s3, s4  }
0xfd: {  	[spmem:s9], [sflag:s8] =	dma.local [hbm:s4], $0x1000  }
0xfe: {  	s9 =	sor.u32 $0xC8000, s0  }
0xff: {  	s25 =	sor.u32 s9, s1  }
0x100: {  	s30 =	simm.s32 $0x22;
	s8 =	sor.u32 $0xD0000, s0;
	s4 =	sshrl.u32 s25, $0x3  }
0x101: {  	s2 =	simm.s32 $0x19000;
	s7 =	sor.u32 s8, s1;
	s4 =	sadd.s32 s3, s4  }
0x102: {  	[spmem:s2], [sflag:s30] =	dma.local [hbm:s4], $0x1000  }
0x103: {  	s25 =	simm.s32 $0x23;
	s4 =	sshrl.u32 s7, $0x3;
	s7 =	sor.u32 $0xD8000, s0  }
0x104: {  	s30 =	simm.s32 $0x1A000;
	s4 =	sadd.s32 s3, s4;
	s2 =	sor.u32 s7, s1  }
0x105: {  	[spmem:s30], [sflag:s25] =	dma.local [hbm:s4], $0x1000  }
0x106: {  	s5 =	simm.s32 $0x24;
	s6 =	sor.u32 $0xE0000, s0;
	s4 =	sshrl.u32 s2, $0x3  }
0x107: {  	s25 =	simm.s32 $0x1B000;
	s30 =	sor.u32 s6, s1;
	s4 =	sadd.s32 s3, s4  }
0x108: {  	[spmem:s25], [sflag:s5] =	dma.local [hbm:s4], $0x1000  }
0x109: {  	s2 =	simm.s32 $0x1C000;
	s4 =	sshrl.u32 s30, $0x3;
	s5 =	sor.u32 $0xE8000, s0  }
0x10a: {  	s25 =	simm.s32 $0x25;
	s4 =	sadd.s32 s3, s4;
	s30 =	sor.u32 s5, s1  }
0x10b: {  	[spmem:s2], [sflag:s25] =	dma.local [hbm:s4], $0x1000  }
0x10c: {  	s4 =	sshrl.u32 s30, $0x3  }
0x10d: {  	s30 =	simm.s32 $0x26;
	s2 =	simm.s32 $0x1D000;
	s4 =	sadd.s32 s3, s4  }
0x10e: {  	[spmem:s2], [sflag:s30] =	dma.local [hbm:s4], $0x1000  }
0x10f: {  	s4 =	sor.u32 $0xF0000, s0  }
0x110: {  	s25 =	sor.u32 s4, s1  }
0x111: {  	s30 =	sshrl.u32 s25, $0x3  }
0x112: {  	s2 =	simm.s32 $0x27;
	s25 =	simm.s32 $0x1E000;
	s30 =	sadd.s32 s3, s30  }
0x113: {  	[spmem:s25], [sflag:s2] =	dma.local [hbm:s30], $0x1000  }
0x114: {  	s25 =	sor.u32 $0xF8000, s0  }
0x115: {  	s1 =	sor.u32 s25, s1  }
0x116: {  	s1 =	sshrl.u32 s1, $0x3  }
0x117: {  	s2 =	simm.s32 $0x1F000;
	s3 =	sadd.s32 s3, s1;
	s1 =	simm.s32 $0x28  }
0x118: {  	[spmem:s2], [sflag:s1] =	dma.local [hbm:s3], $0x1000  }
0x119: {  	s3 =	simm.s32 $0x9  }
0x11a: {  	_ =	swait.ge [sflag:s3], $0x1000  }
0x11b: {  	s30 =	simm.s32 $0x9;
	[sflag:s3] =	ssyncset.done $0x0;
	s0 =	rddreg [dreg:$0x0]  }
0x11c: {  	s3 =	sshll.u32 s0, $0x11;
	[sflag:s30] =	ssyncadd.s32 $0xFFFFF000;
	s0 =	simm.s32 $0x0  }
0x11d: {  	s30 =	simm.s32 $0xA;
	s1 =	sadd.s32 s3, s28;
	s3 =	simm.s32 $0x29  }
0x11e: {  	[hbm:s1], [sflag:s3] =	dma.local [spmem:s0], $0x1000  }
0x11f: {  	_ =	swait.ge [sflag:s30], $0x1000  }
0x120: {  	s0 =	rddreg [dreg:$0x1]  }
0x121: {  	s1 =	simm.s32 $0xA;
	[sflag:s30] =	ssyncset.done $0x0;
	s30 =	sshrl.u32 s0, $0x3  }
0x122: {  	[sflag:s1] =	ssyncadd.s32 $0xFFFFF000;
	s0 =	simm.s32 $0x1000;
	s30 =	sadd.s32 s30, s28  }
0x123: {  	[hbm:s30], [sflag:s3] =	dma.local [spmem:s0], $0x1000  }
0x124: {  	s0 =	simm.s32 $0xB  }
0x125: {  	_ =	swait.ge [sflag:s0], $0x1000  }
0x126: {  	s30 =	rddreg [dreg:$0x2]  }
0x127: {  	[sflag:s0] =	ssyncset.done $0x0;
	s0 =	simm.s32 $0xB;
	s1 =	sshrl.u32 s30, $0x3  }
0x128: {  	[sflag:s0] =	ssyncadd.s32 $0xFFFFF000;
	s30 =	sadd.s32 s1, s28;
	s1 =	simm.s32 $0x2000  }
0x129: {  	[hbm:s30], [sflag:s3] =	dma.local [spmem:s1], $0x1000  }
0x12a: {  	s1 =	simm.s32 $0xC  }
0x12b: {  	_ =	swait.ge [sflag:s1], $0x1000  }
0x12c: {  	s30 =	rddreg [dreg:$0x3]  }
0x12d: {  	s0 =	simm.s32 $0xC;
	[sflag:s1] =	ssyncset.done $0x0;
	s1 =	sshrl.u32 s30, $0x3  }
0x12e: {  	[sflag:s0] =	ssyncadd.s32 $0xFFFFF000;
	s30 =	sadd.s32 s1, s28;
	s1 =	simm.s32 $0x3000  }
0x12f: {  	[hbm:s30], [sflag:s3] =	dma.local [spmem:s1], $0x1000  }
0x130: {  	s1 =	simm.s32 $0xD  }
0x131: {  	_ =	swait.ge [sflag:s1], $0x1000  }
0x132: {  	s30 =	rddreg [dreg:$0x4]  }
0x133: {  	[sflag:s1] =	ssyncset.done $0x0;
	s1 =	simm.s32 $0xD;
	s0 =	sshrl.u32 s30, $0x3  }
0x134: {  	[sflag:s1] =	ssyncadd.s32 $0xFFFFF000;
	s1 =	simm.s32 $0x4000;
	s30 =	sadd.s32 s0, s28  }
0x135: {  	[hbm:s30], [sflag:s3] =	dma.local [spmem:s1], $0x1000  }
0x136: {  	s30 =	simm.s32 $0xE  }
0x137: {  	_ =	swait.ge [sflag:s30], $0x1000  }
0x138: {  	s1 =	simm.s32 $0xE;
	[sflag:s30] =	ssyncset.done $0x0  }
0x139: {  	s29 =	sshrl.u32 s29, $0x3;
	[sflag:s1] =	ssyncadd.s32 $0xFFFFF000  }
0x13a: {  	s29 =	sadd.s32 s29, s28;
	s30 =	simm.s32 $0x5000;
	s1 =	simm.s32 $0xF  }
0x13b: {  	[hbm:s29], [sflag:s3] =	dma.local [spmem:s30], $0x1000  }
0x13c: {  	_ =	swait.ge [sflag:s1], $0x1000  }
0x13d: {  	s29 =	simm.s32 $0xF;
	[sflag:s1] =	ssyncset.done $0x0  }
0x13e: {  	s26 =	sshrl.u32 s26, $0x3;
	[sflag:s29] =	ssyncadd.s32 $0xFFFFF000  }
0x13f: {  	s26 =	sadd.s32 s26, s28;
	s30 =	simm.s32 $0x6000;
	s1 =	simm.s32 $0x10  }
0x140: {  	[hbm:s26], [sflag:s3] =	dma.local [spmem:s30], $0x1000  }
0x141: {  	_ =	swait.ge [sflag:s1], $0x1000  }
0x142: {  	s29 =	simm.s32 $0x10;
	[sflag:s1] =	ssyncset.done $0x0  }
0x143: {  	s24 =	sshrl.u32 s24, $0x3;
	[sflag:s29] =	ssyncadd.s32 $0xFFFFF000  }
0x144: {  	s24 =	sadd.s32 s24, s28;
	s30 =	simm.s32 $0x7000;
	s1 =	simm.s32 $0x11  }
0x145: {  	[hbm:s24], [sflag:s3] =	dma.local [spmem:s30], $0x1000  }
0x146: {  	_ =	swait.ge [sflag:s1], $0x1000  }
0x147: {  	s24 =	simm.s32 $0x11;
	[sflag:s1] =	ssyncset.done $0x0;
	s26 =	rddreg [dreg:$0x5]  }
0x148: {  	s29 =	sshrl.u32 s26, $0x3;
	[sflag:s24] =	ssyncadd.s32 $0xFFFFF000  }
0x149: {  	s30 =	simm.s32 $0x8000;
	s1 =	simm.s32 $0x12;
	s24 =	sadd.s32 s29, s28  }
0x14a: {  	[hbm:s24], [sflag:s3] =	dma.local [spmem:s30], $0x1000  }
0x14b: {  	_ =	swait.ge [sflag:s1], $0x1000  }
0x14c: {  	s24 =	simm.s32 $0x12;
	[sflag:s1] =	ssyncset.done $0x0;
	s26 =	rddreg [dreg:$0x6]  }
0x14d: {  	s29 =	sshrl.u32 s26, $0x3;
	[sflag:s24] =	ssyncadd.s32 $0xFFFFF000  }
0x14e: {  	s30 =	simm.s32 $0x9000;
	s1 =	simm.s32 $0x13;
	s24 =	sadd.s32 s29, s28  }
0x14f: {  	[hbm:s24], [sflag:s3] =	dma.local [spmem:s30], $0x1000  }
0x150: {  	_ =	swait.ge [sflag:s1], $0x1000  }
0x151: {  	s24 =	simm.s32 $0x13;
	[sflag:s1] =	ssyncset.done $0x0  }
0x152: {  	s26 =	sshrl.u32 s31, $0x3;
	[sflag:s24] =	ssyncadd.s32 $0xFFFFF000  }
0x153: {  	s29 =	simm.s32 $0xA000;
	s30 =	simm.s32 $0x14;
	s24 =	sadd.s32 s26, s28  }
0x154: {  	[hbm:s24], [sflag:s3] =	dma.local [spmem:s29], $0x1000  }
0x155: {  	_ =	swait.ge [sflag:s30], $0x1000  }
0x156: {  	s31 =	simm.s32 $0x14;
	[sflag:s30] =	ssyncset.done $0x0  }
0x157: {  	s23 =	sshrl.u32 s23, $0x3;
	[sflag:s31] =	ssyncadd.s32 $0xFFFFF000  }
0x158: {  	s23 =	sadd.s32 s23, s28;
	s1 =	simm.s32 $0xB000;
	s24 =	simm.s32 $0x15  }
0x159: {  	[hbm:s23], [sflag:s3] =	dma.local [spmem:s1], $0x1000  }
0x15a: {  	_ =	swait.ge [sflag:s24], $0x1000  }
0x15b: {  	s26 =	simm.s32 $0x15;
	[sflag:s24] =	ssyncset.done $0x0  }
0x15c: {  	s22 =	sshrl.u32 s22, $0x3;
	[sflag:s26] =	ssyncadd.s32 $0xFFFFF000  }
0x15d: {  	s22 =	sadd.s32 s22, s28;
	s29 =	simm.s32 $0xC000;
	s30 =	simm.s32 $0x16  }
0x15e: {  	[hbm:s22], [sflag:s3] =	dma.local [spmem:s29], $0x1000  }
0x15f: {  	_ =	swait.ge [sflag:s30], $0x1000  }
0x160: {  	s21 =	sshrl.u32 s21, $0x3;
	s31 =	simm.s32 $0x16;
	[sflag:s30] =	ssyncset.done $0x0  }
0x161: {  	s21 =	sadd.s32 s21, s28;
	s1 =	simm.s32 $0xD000;
	[sflag:s31] =	ssyncadd.s32 $0xFFFFF000  }
0x162: {  	[hbm:s21], [sflag:s3] =	dma.local [spmem:s1], $0x1000  }
0x163: {  	s21 =	simm.s32 $0x17  }
0x164: {  	_ =	swait.ge [sflag:s21], $0x1000  }
0x165: {  	s22 =	simm.s32 $0x17;
	[sflag:s21] =	ssyncset.done $0x0  }
0x166: {  	s20 =	sshrl.u32 s20, $0x3;
	[sflag:s22] =	ssyncadd.s32 $0xFFFFF000  }
0x167: {  	s20 =	sadd.s32 s20, s28;
	s23 =	simm.s32 $0xE000;
	s24 =	simm.s32 $0x18  }
0x168: {  	[hbm:s20], [sflag:s3] =	dma.local [spmem:s23], $0x1000  }
0x169: {  	_ =	swait.ge [sflag:s24], $0x1000  }
0x16a: {  	s26 =	simm.s32 $0x18;
	[sflag:s24] =	ssyncset.done $0x0  }
0x16b: {  	s19 =	sshrl.u32 s19, $0x3;
	[sflag:s26] =	ssyncadd.s32 $0xFFFFF000  }
0x16c: {  	s19 =	sadd.s32 s19, s28;
	s29 =	simm.s32 $0xF000;
	s30 =	simm.s32 $0x19  }
0x16d: {  	[hbm:s19], [sflag:s3] =	dma.local [spmem:s29], $0x1000  }
0x16e: {  	_ =	swait.ge [sflag:s30], $0x1000  }
0x16f: {  	s18 =	sshrl.u32 s18, $0x3;
	s31 =	simm.s32 $0x19;
	[sflag:s30] =	ssyncset.done $0x0  }
0x170: {  	s18 =	sadd.s32 s18, s28;
	s1 =	simm.s32 $0x10000;
	[sflag:s31] =	ssyncadd.s32 $0xFFFFF000  }
0x171: {  	[hbm:s18], [sflag:s3] =	dma.local [spmem:s1], $0x1000  }
0x172: {  	s18 =	simm.s32 $0x1A  }
0x173: {  	_ =	swait.ge [sflag:s18], $0x1000  }
0x174: {  	s19 =	simm.s32 $0x1A;
	[sflag:s18] =	ssyncset.done $0x0  }
0x175: {  	s17 =	sshrl.u32 s17, $0x3;
	[sflag:s19] =	ssyncadd.s32 $0xFFFFF000  }
0x176: {  	s17 =	sadd.s32 s17, s28;
	s21 =	simm.s32 $0x1B;
	s20 =	simm.s32 $0x11000  }
0x177: {  	[hbm:s17], [sflag:s3] =	dma.local [spmem:s20], $0x1000  }
0x178: {  	_ =	swait.ge [sflag:s21], $0x1000  }
0x179: {  	s22 =	simm.s32 $0x1B;
	[sflag:s21] =	ssyncset.done $0x0  }
0x17a: {  	s16 =	sshrl.u32 s16, $0x3;
	[sflag:s22] =	ssyncadd.s32 $0xFFFFF000  }
0x17b: {  	s16 =	sadd.s32 s16, s28;
	s23 =	simm.s32 $0x12000;
	s24 =	simm.s32 $0x1C  }
0x17c: {  	[hbm:s16], [sflag:s3] =	dma.local [spmem:s23], $0x1000  }
0x17d: {  	_ =	swait.ge [sflag:s24], $0x1000  }
0x17e: {  	s26 =	simm.s32 $0x1C;
	[sflag:s24] =	ssyncset.done $0x0  }
0x17f: {  	s15 =	sshrl.u32 s15, $0x3;
	[sflag:s26] =	ssyncadd.s32 $0xFFFFF000  }
0x180: {  	s15 =	sadd.s32 s15, s28;
	s29 =	simm.s32 $0x13000;
	s30 =	simm.s32 $0x1D  }
0x181: {  	[hbm:s15], [sflag:s3] =	dma.local [spmem:s29], $0x1000  }
0x182: {  	_ =	swait.ge [sflag:s30], $0x1000  }
0x183: {  	s14 =	sshrl.u32 s14, $0x3;
	s31 =	simm.s32 $0x1D;
	[sflag:s30] =	ssyncset.done $0x0  }
0x184: {  	s14 =	sadd.s32 s14, s28;
	s1 =	simm.s32 $0x14000;
	[sflag:s31] =	ssyncadd.s32 $0xFFFFF000  }
0x185: {  	[hbm:s14], [sflag:s3] =	dma.local [spmem:s1], $0x1000  }
0x186: {  	s14 =	simm.s32 $0x1E  }
0x187: {  	_ =	swait.ge [sflag:s14], $0x1000  }
0x188: {  	s15 =	simm.s32 $0x1E;
	[sflag:s14] =	ssyncset.done $0x0  }
0x189: {  	s13 =	sshrl.u32 s13, $0x3;
	[sflag:s15] =	ssyncadd.s32 $0xFFFFF000  }
0x18a: {  	s13 =	sadd.s32 s13, s28;
	s17 =	simm.s32 $0x1F;
	s16 =	simm.s32 $0x15000  }
0x18b: {  	[hbm:s13], [sflag:s3] =	dma.local [spmem:s16], $0x1000  }
0x18c: {  	_ =	swait.ge [sflag:s17], $0x1000  }
0x18d: {  	s18 =	simm.s32 $0x1F;
	[sflag:s17] =	ssyncset.done $0x0  }
0x18e: {  	s12 =	sshrl.u32 s12, $0x3;
	[sflag:s18] =	ssyncadd.s32 $0xFFFFF000  }
0x18f: {  	s12 =	sadd.s32 s12, s28;
	s19 =	simm.s32 $0x16000;
	s20 =	simm.s32 $0x20  }
0x190: {  	[hbm:s12], [sflag:s3] =	dma.local [spmem:s19], $0x1000  }
0x191: {  	_ =	swait.ge [sflag:s20], $0x1000  }
0x192: {  	s21 =	simm.s32 $0x20;
	[sflag:s20] =	ssyncset.done $0x0  }
0x193: {  	s11 =	sshrl.u32 s11, $0x3;
	[sflag:s21] =	ssyncadd.s32 $0xFFFFF000  }
0x194: {  	s11 =	sadd.s32 s11, s28;
	s22 =	simm.s32 $0x17000;
	s23 =	simm.s32 $0x21  }
0x195: {  	[hbm:s11], [sflag:s3] =	dma.local [spmem:s22], $0x1000  }
0x196: {  	_ =	swait.ge [sflag:s23], $0x1000  }
0x197: {  	s24 =	simm.s32 $0x21;
	[sflag:s23] =	ssyncset.done $0x0  }
0x198: {  	s10 =	sshrl.u32 s10, $0x3;
	[sflag:s24] =	ssyncadd.s32 $0xFFFFF000  }
0x199: {  	s10 =	sadd.s32 s10, s28;
	s26 =	simm.s32 $0x18000;
	s29 =	simm.s32 $0x22  }
0x19a: {  	[hbm:s10], [sflag:s3] =	dma.local [spmem:s26], $0x1000  }
0x19b: {  	_ =	swait.ge [sflag:s29], $0x1000  }
0x19c: {  	s30 =	simm.s32 $0x22;
	[sflag:s29] =	ssyncset.done $0x0  }
0x19d: {  	s9 =	sshrl.u32 s9, $0x3;
	[sflag:s30] =	ssyncadd.s32 $0xFFFFF000  }
0x19e: {  	s9 =	sadd.s32 s9, s28;
	s31 =	simm.s32 $0x19000;
	s1 =	simm.s32 $0x23  }
0x19f: {  	[hbm:s9], [sflag:s3] =	dma.local [spmem:s31], $0x1000  }
0x1a0: {  	_ =	swait.ge [sflag:s1], $0x1000  }
0x1a1: {  	s9 =	simm.s32 $0x23;
	[sflag:s1] =	ssyncset.done $0x0  }
0x1a2: {  	s8 =	sshrl.u32 s8, $0x3;
	[sflag:s9] =	ssyncadd.s32 $0xFFFFF000  }
0x1a3: {  	s8 =	sadd.s32 s8, s28;
	s11 =	simm.s32 $0x24;
	s10 =	simm.s32 $0x1A000  }
0x1a4: {  	[hbm:s8], [sflag:s3] =	dma.local [spmem:s10], $0x1000  }
0x1a5: {  	_ =	swait.ge [sflag:s11], $0x1000  }
0x1a6: {  	s12 =	simm.s32 $0x24;
	[sflag:s11] =	ssyncset.done $0x0  }
0x1a7: {  	s7 =	sshrl.u32 s7, $0x3;
	[sflag:s12] =	ssyncadd.s32 $0xFFFFF000  }
0x1a8: {  	s7 =	sadd.s32 s7, s28;
	s14 =	simm.s32 $0x25;
	s13 =	simm.s32 $0x1B000  }
0x1a9: {  	[hbm:s7], [sflag:s3] =	dma.local [spmem:s13], $0x1000  }
0x1aa: {  	_ =	swait.ge [sflag:s14], $0x1000  }
0x1ab: {  	s15 =	simm.s32 $0x25;
	[sflag:s14] =	ssyncset.done $0x0  }
0x1ac: {  	s6 =	sshrl.u32 s6, $0x3;
	[sflag:s15] =	ssyncadd.s32 $0xFFFFF000  }
0x1ad: {  	s6 =	sadd.s32 s6, s28;
	s16 =	simm.s32 $0x1C000;
	s17 =	simm.s32 $0x26  }
0x1ae: {  	[hbm:s6], [sflag:s3] =	dma.local [spmem:s16], $0x1000  }
0x1af: {  	_ =	swait.ge [sflag:s17], $0x1000  }
0x1b0: {  	s18 =	simm.s32 $0x26;
	[sflag:s17] =	ssyncset.done $0x0  }
0x1b1: {  	s5 =	sshrl.u32 s5, $0x3;
	[sflag:s18] =	ssyncadd.s32 $0xFFFFF000  }
0x1b2: {  	s5 =	sadd.s32 s5, s28;
	s19 =	simm.s32 $0x1D000;
	s20 =	simm.s32 $0x27  }
0x1b3: {  	[hbm:s5], [sflag:s3] =	dma.local [spmem:s19], $0x1000  }
0x1b4: {  	_ =	swait.ge [sflag:s20], $0x1000  }
0x1b5: {  	s21 =	simm.s32 $0x27;
	[sflag:s20] =	ssyncset.done $0x0  }
0x1b6: {  	s4 =	sshrl.u32 s4, $0x3;
	[sflag:s21] =	ssyncadd.s32 $0xFFFFF000  }
0x1b7: {  	s4 =	sadd.s32 s4, s28;
	s22 =	simm.s32 $0x1E000;
	s23 =	simm.s32 $0x28  }
0x1b8: {  	[hbm:s4], [sflag:s3] =	dma.local [spmem:s22], $0x1000  }
0x1b9: {  	_ =	swait.ge [sflag:s23], $0x1000  }
0x1ba: {  	s24 =	simm.s32 $0x28;
	[sflag:s23] =	ssyncset.done $0x0  }
0x1bb: {  	s26 =	sshrl.u32 s25, $0x3;
	[sflag:s24] =	ssyncadd.s32 $0xFFFFF000  }
0x1bc: {  	s0 =	sadd.s32 s26, s28  }
0x1bd: {  	[hbm:s0], [sflag:s3] =	dma.local [spmem:s2], $0x1000  }
0x1be: {  	_ =	swait.ge [sflag:s3], $0x1000  }
0x1bf: {  	[sflag:s3] =	ssyncset.done $0x0  }
0x1c0: {  	[sflag:s3] =	ssyncadd.s32 $0xFFFFF000;
	_ =	sdelay $0x2  }
0x1c1: {  	_ =	swait.ge [sflag:s3], $0x1000  }
0x1c2: {  	[sflag:s3] =	ssyncset.done $0x0  }
0x1c3: {  	[sflag:s3] =	ssyncadd.s32 $0xFFFFF000;
	_ =	sdelay $0x2  }
0x1c4: {  	_ =	swait.ge [sflag:s3], $0x1000  }
0x1c5: {  	[sflag:s3] =	ssyncset.done $0x0  }
0x1c6: {  	[sflag:s3] =	ssyncadd.s32 $0xFFFFF000;
	_ =	sdelay $0x2  }
0x1c7: {  	_ =	swait.ge [sflag:s3], $0x1000  }
0x1c8: {  	[sflag:s3] =	ssyncset.done $0x0  }
0x1c9: {  	[sflag:s3] =	ssyncadd.s32 $0xFFFFF000;
	_ =	sdelay $0x2  }
0x1ca: {  	_ =	swait.ge [sflag:s3], $0x1000  }
0x1cb: {  	[sflag:s3] =	ssyncset.done $0x0  }
0x1cc: {  	[sflag:s3] =	ssyncadd.s32 $0xFFFFF000;
	_ =	sdelay $0x2  }
0x1cd: {  	_ =	swait.ge [sflag:s3], $0x1000  }
0x1ce: {  	[sflag:s3] =	ssyncset.done $0x0  }
0x1cf: {  	[sflag:s3] =	ssyncadd.s32 $0xFFFFF000;
	_ =	sdelay $0x2  }
0x1d0: {  	_ =	swait.ge [sflag:s3], $0x1000  }
0x1d1: {  	[sflag:s3] =	ssyncset.done $0x0  }
0x1d2: {  	[sflag:s3] =	ssyncadd.s32 $0xFFFFF000;
	_ =	sdelay $0x2  }
0x1d3: {  	_ =	swait.ge [sflag:s3], $0x1000  }
0x1d4: {  	[sflag:s3] =	ssyncset.done $0x0  }
0x1d5: {  	[sflag:s3] =	ssyncadd.s32 $0xFFFFF000;
	_ =	sdelay $0x2  }
0x1d6: {  	_ =	swait.ge [sflag:s3], $0x1000  }
0x1d7: {  	[sflag:s3] =	ssyncset.done $0x0  }
0x1d8: {  	[sflag:s3] =	ssyncadd.s32 $0xFFFFF000;
	_ =	sdelay $0x2  }
0x1d9: {  	_ =	swait.ge [sflag:s3], $0x1000  }
0x1da: {  	[sflag:s3] =	ssyncset.done $0x0  }
0x1db: {  	[sflag:s3] =	ssyncadd.s32 $0xFFFFF000;
	_ =	sdelay $0x2  }
0x1dc: {  	_ =	swait.ge [sflag:s3], $0x1000  }
0x1dd: {  	[sflag:s3] =	ssyncset.done $0x0  }
0x1de: {  	[sflag:s3] =	ssyncadd.s32 $0xFFFFF000;
	_ =	sdelay $0x2  }
0x1df: {  	_ =	swait.ge [sflag:s3], $0x1000  }
0x1e0: {  	[sflag:s3] =	ssyncset.done $0x0  }
0x1e1: {  	[sflag:s3] =	ssyncadd.s32 $0xFFFFF000;
	_ =	sdelay $0x2  }
0x1e2: {  	_ =	swait.ge [sflag:s3], $0x1000  }
0x1e3: {  	[sflag:s3] =	ssyncset.done $0x0  }
0x1e4: {  	[sflag:s3] =	ssyncadd.s32 $0xFFFFF000;
	_ =	sdelay $0x2  }
0x1e5: {  	_ =	swait.ge [sflag:s3], $0x1000  }
0x1e6: {  	[sflag:s3] =	ssyncset.done $0x0  }
0x1e7: {  	[sflag:s3] =	ssyncadd.s32 $0xFFFFF000;
	_ =	sdelay $0x2  }
0x1e8: {  	_ =	swait.ge [sflag:s3], $0x1000  }
0x1e9: {  	[sflag:s3] =	ssyncset.done $0x0  }
0x1ea: {  	[sflag:s3] =	ssyncadd.s32 $0xFFFFF000;
	_ =	sdelay $0x2  }
0x1eb: {  	_ =	swait.ge [sflag:s3], $0x1000  }
0x1ec: {  	[sflag:s3] =	ssyncset.done $0x0  }
0x1ed: {  	[sflag:s3] =	ssyncadd.s32 $0xFFFFF000;
	_ =	sdelay $0x2  }
0x1ee: {  	_ =	swait.ge [sflag:s3], $0x1000  }
0x1ef: {  	[sflag:s3] =	ssyncset.done $0x0  }
0x1f0: {  	[sflag:s3] =	ssyncadd.s32 $0xFFFFF000;
	_ =	sdelay $0x2  }
0x1f1: {  	_ =	swait.ge [sflag:s3], $0x1000  }
0x1f2: {  	[sflag:s3] =	ssyncset.done $0x0  }
0x1f3: {  	[sflag:s3] =	ssyncadd.s32 $0xFFFFF000;
	_ =	sdelay $0x2  }
0x1f4: {  	_ =	swait.ge [sflag:s3], $0x1000  }
0x1f5: {  	[sflag:s3] =	ssyncset.done $0x0  }
0x1f6: {  	[sflag:s3] =	ssyncadd.s32 $0xFFFFF000;
	_ =	sdelay $0x2  }
0x1f7: {  	_ =	swait.ge [sflag:s3], $0x1000  }
0x1f8: {  	[sflag:s3] =	ssyncset.done $0x0  }
0x1f9: {  	[sflag:s3] =	ssyncadd.s32 $0xFFFFF000;
	_ =	sdelay $0x2  }
0x1fa: {  	_ =	swait.ge [sflag:s3], $0x1000  }
0x1fb: {  	[sflag:s3] =	ssyncset.done $0x0  }
0x1fc: {  	[sflag:s3] =	ssyncadd.s32 $0xFFFFF000;
	_ =	sdelay $0x2  }
0x1fd: {  	_ =	swait.ge [sflag:s3], $0x1000  }
0x1fe: {  	[sflag:s3] =	ssyncset.done $0x0  }
0x1ff: {  	[sflag:s3] =	ssyncadd.s32 $0xFFFFF000;
	_ =	sdelay $0x2  }
0x200: {  	_ =	swait.ge [sflag:s3], $0x1000  }
0x201: {  	[sflag:s3] =	ssyncset.done $0x0  }
0x202: {  	[sflag:s3] =	ssyncadd.s32 $0xFFFFF000;
	_ =	sdelay $0x2  }
0x203: {  	_ =	swait.ge [sflag:s3], $0x1000  }
0x204: {  	[sflag:s3] =	ssyncset.done $0x0  }
0x205: {  	[sflag:s3] =	ssyncadd.s32 $0xFFFFF000;
	_ =	sdelay $0x2  }
0x206: {  	_ =	swait.ge [sflag:s3], $0x1000  }
0x207: {  	[sflag:s3] =	ssyncset.done $0x0  }
0x208: {  	[sflag:s3] =	ssyncadd.s32 $0xFFFFF000;
	_ =	sdelay $0x2  }
0x209: {  	_ =	swait.ge [sflag:s3], $0x1000  }
0x20a: {  	[sflag:s3] =	ssyncset.done $0x0  }
0x20b: {  	[sflag:s3] =	ssyncadd.s32 $0xFFFFF000;
	_ =	sdelay $0x2  }
0x20c: {  	_ =	swait.ge [sflag:s3], $0x1000  }
0x20d: {  	[sflag:s3] =	ssyncset.done $0x0  }
0x20e: {  	[sflag:s3] =	ssyncadd.s32 $0xFFFFF000;
	_ =	sdelay $0x2  }
0x20f: {  	_ =	swait.ge [sflag:s3], $0x1000  }
0x210: {  	[sflag:s3] =	ssyncset.done $0x0  }
0x211: {  	[sflag:s3] =	ssyncadd.s32 $0xFFFFF000;
	_ =	sdelay $0x2  }
0x212: {  	_ =	swait.ge [sflag:s3], $0x1000  }
0x213: {  	[sflag:s3] =	ssyncset.done $0x0  }
0x214: {  	[sflag:s3] =	ssyncadd.s32 $0xFFFFF000;
	_ =	sdelay $0x2  }
0x215: {  	_ =	swait.ge [sflag:s3], $0x1000  }
0x216: {  	[sflag:s3] =	ssyncset.done $0x0  }
0x217: {  	[sflag:s3] =	ssyncadd.s32 $0xFFFFF000;
	_ =	sdelay $0x2  }
0x218: {  	_ =	swait.ge [sflag:s3], $0x1000  }
0x219: {  	[sflag:s3] =	ssyncset.done $0x0  }
0x21a: {  	[sflag:s3] =	ssyncadd.s32 $0xFFFFF000;
	_ =	sdelay $0x2  }
0x21b: {  	_ =	swait.ge [sflag:s3], $0x1000  }
0x21c: {  	[sflag:s3] =	ssyncset.done $0x0  }
0x21d: {  	[sflag:s3] =	ssyncadd.s32 $0xFFFFF000  }
0x21e: {  	_ =	strace $0x90000046  }
0x21f: {  	_ =	sfence  }
0x220: {  	s28 =	sld [smem:$0x0];
	_ =	sdelay $0x1  }
0x221: {  	s29 =	srdreg.scid  }
0x222: {  	s30 =	sshll.u32 s29, $0xD;
	s2 =	sshrl.u32 s29, $0x2  }
0x223: {  	s1 =	sand.u32 $0x4000, s30;
	s31 =	rddreg [dreg:$0x0];
	s0 =	sadd.s32 s2, s28  }
0x224: {  	s1 =	sor.u32 s1, s31;
	s0 =	sshll.u32 s0, $0x11  }
0x225: {  	s0 =	sor.u32 s0, s1  }
0x226: {  	s0 =	sadd.s32 $0x8F2B, s0;
	(pc) =	sbr.abs _section_cstart, $3  }
0x227: {  	[sflag:s0] =	ssyncadd.remote.s32 $0x1  }
0x228: {  	_ =	strace $0x9FFFFFFF  }
0x229: {  	(tm) =	ssettm $0x7FFFFFFF  }

</sc_bundles>
